<compile_context>
chip_gen: v7x
topology: tpu7x:2x2x1
jax: 0.10.2.dev20260603
libtpu: 0.0.44.dev20260713+nightly
codegen_flags: <defaults>
</compile_context>

<pallas_src>
import functools
import math

import jax
import jax.numpy as jnp
from jax import lax
from jax.experimental import pallas as pl
from jax.experimental.pallas import tpu as pltpu
from jax.experimental.pallas import tpu_sc as plsc

_NUM_HEADS = 16
_NUM_BUCKETS = 32
_MAX_DISTANCE = 128
_KEY_LEN = 2048
_QUERY_LEN = 2048

_APB = 4


def _bucket_kernel(zero_ref, b_ref):
    w = jax.lax.broadcasted_iota(jnp.int32, (32, 128), 0)
    t = jax.lax.broadcasted_iota(jnp.int32, (32, 128), 1)
    i_row = w * 128 + t
    d = zero_ref[0, 0] + 2047 - i_row
    nb = _NUM_BUCKETS // 2
    ret = jnp.where(d > 0, nb, 0).astype(jnp.int32)
    ad = jnp.abs(d)
    max_exact = nb // 2
    is_small = ad < max_exact
    rp_f = jnp.maximum(ad, 1).astype(jnp.float32)
    val_large = max_exact + (
        jnp.log(rp_f / max_exact) / math.log(_MAX_DISTANCE / max_exact) * (nb - max_exact)
    ).astype(jnp.int32)
    val_large = jnp.minimum(val_large, nb - 1)
    b_ref[:, :] = ret + jnp.where(is_small, ad, val_large)


def _sc_gather_body(table_ref, brow_ref, out_ref, idx_v, rows_v, sem):
    wid = lax.axis_index("s") * 2 + lax.axis_index("c")
    pltpu.sync_copy(brow_ref.at[wid], idx_v)
    pltpu.async_copy(table_ref.at[idx_v], rows_v, sem).wait()
    pltpu.sync_copy(rows_v, out_ref.at[wid])

    @pl.when(wid < 8)
    def _pad_tail_rows():
        pltpu.sync_copy(rows_v, out_ref.at[wid + 32])


def _expand_kernel(src_ref, out_ref):
    g = pl.program_id(0)
    lane = jax.lax.broadcasted_iota(jnp.int32, (32, 2048), 1)
    for u in range(_APB):
        a = _APB * g + u
        limit = 16 * a + 16
        shift = limit & 2047
        rolled = pltpu.roll(src_ref[0:40, :], shift, 1)
        src_rolled = jnp.where(lane < limit, rolled[0:32, :], rolled[1:33, :])
        for h in range(_NUM_HEADS):
            out_ref[h, 16 * u:16 * (u + 1), :] = src_rolled[15 - h:31 - h, :]


def kernel(table, batch, key_len, query_len):
    zero = (
        jnp.asarray(batch, jnp.int32) - 1
        + jnp.asarray(key_len, jnp.int32) - _KEY_LEN
        + jnp.asarray(query_len, jnp.int32) - _QUERY_LEN
    ).reshape(1, 1)
    brow = pl.pallas_call(
        _bucket_kernel,
        out_shape=jax.ShapeDtypeStruct((32, 128), jnp.int32),
        in_specs=[pl.BlockSpec(memory_space=pltpu.SMEM)],
        out_specs=pl.BlockSpec((32, 128), lambda: (0, 0)),
    )(zero)
    sc_gather = pl.kernel(
        _sc_gather_body,
        out_type=jax.ShapeDtypeStruct((40, 128, _NUM_HEADS), jnp.float32),
        mesh=plsc.VectorSubcoreMesh(core_axis_name="c", subcore_axis_name="s"),
        scratch_types=[
            pltpu.VMEM((128,), jnp.int32),
            pltpu.VMEM((128, _NUM_HEADS), jnp.float32),
            pltpu.SemaphoreType.DMA,
        ],
        compiler_params=pltpu.CompilerParams(use_tc_tiling_on_sc=False),
    )
    src = sc_gather(table.astype(jnp.float32), brow).reshape(40, 2048)
    out = pl.pallas_call(
        _expand_kernel,
        grid=(128 // _APB,),
        out_shape=jax.ShapeDtypeStruct((_NUM_HEADS, _KEY_LEN, _QUERY_LEN), jnp.float32),
        in_specs=[pl.BlockSpec((40, 2048), lambda g: (0, 0))],
        out_specs=pl.BlockSpec((_NUM_HEADS, 16 * _APB, _QUERY_LEN), lambda g: (0, g, 0)),
    )(src)
    return out.reshape(1, _NUM_HEADS, _KEY_LEN, _QUERY_LEN)

# --- scband reference (transcript-rebuilt; emitter-appended) ---
"""Pipeline reference for scband-position-embedding-50637664420478 (READ-ONLY COPY).

The authoritative reference and input builder live on the scoring server;
editing this copy changes nothing except your own understanding.
"""

import jax, jax.numpy as jnp
import numpy as np
import math

NUM_HEADS = 16
NUM_BUCKETS = 32
MAX_DISTANCE = 128
BIDIRECTIONAL = True

BATCH = 1
KEY_LEN = 2048
QUERY_LEN = 2048


def _relative_position_bucket(relative_position, bidirectional, num_buckets, max_distance):
    # Faithful T5-style relative position bucketing (the semantics of the fused
    # position_bucket CUDA kernel in the original module).
    rp = relative_position.astype(jnp.int32)
    ret = jnp.zeros_like(rp)
    if bidirectional:
        num_buckets = num_buckets // 2
        ret = ret + (rp > 0).astype(jnp.int32) * num_buckets
        rp = jnp.abs(rp)
    else:
        rp = -jnp.minimum(rp, 0)
    max_exact = num_buckets // 2
    is_small = rp < max_exact
    rp_f = jnp.maximum(rp, 1).astype(jnp.float32)
    val_if_large = max_exact + (
        jnp.log(rp_f / max_exact) / math.log(max_distance / max_exact) * (num_buckets - max_exact)
    ).astype(jnp.int32)
    val_if_large = jnp.minimum(val_if_large, num_buckets - 1)
    ret = ret + jnp.where(is_small, rp, val_if_large)
    return ret


def setup_inputs(seed: int = 0) -> dict:
    key = jax.random.key(seed)
    table = jax.random.normal(key, (NUM_BUCKETS, NUM_HEADS), dtype=jnp.float32) * 0.02
    return {"table": table, "batch": 1, "key_len": 2048, "query_len": 2048}


def reference(table, batch, key_len, query_len):
    zero = (
        jnp.asarray(batch, jnp.int32) - BATCH
        + jnp.asarray(key_len, jnp.int32) - KEY_LEN
        + jnp.asarray(query_len, jnp.int32) - QUERY_LEN
    )
    mem = jnp.arange(KEY_LEN, dtype=jnp.int32) + zero
    ctx = jnp.arange(QUERY_LEN, dtype=jnp.int32)
    rel = mem[:, None] - ctx[None, :]  # (key_len, query_len)
    buckets = _relative_position_bucket(rel, BIDIRECTIONAL, NUM_BUCKETS, MAX_DISTANCE)
    pos = buckets.reshape(1, KEY_LEN * QUERY_LEN)
    pos = jnp.tile(pos, (BATCH, 1))  # (batch, key_len*query_len)
    emb = jnp.take(table, pos, axis=0)  # (batch, key_len*query_len, num_heads)
    # Original module does a raw .view (memory reinterpret), reproduced by reshape.
    return emb.reshape(BATCH, NUM_HEADS, KEY_LEN, QUERY_LEN)

if __name__ == "__main__":
    import jax
    _d = setup_inputs()
    print(jax.jit(kernel)(*tuple(_d.values())))

</pallas_src>

<mosaic_0001>
#map = affine_map<(d0, d1) -> (0, 0)>
#map1 = affine_map<(d0, d1) -> (0, 0, 0)>
module attributes {stable_mosaic.version = 14 : i64} {
  func.func @_sc_gather_body(%arg0: i32, %arg1: i32, %arg2: memref<32x16xf32, #tpu.memory_space<hbm>>, %arg3: memref<32x128xi32, #tpu.memory_space<hbm>>, %arg4: memref<40x128x16xf32, #tpu.memory_space<hbm>>, %arg5: memref<128xi32, #tpu.memory_space<vmem>>, %arg6: memref<128x16xf32, #tpu.memory_space<vmem>>, %arg7: memref<!tpu.dma_semaphore, #tpu.memory_space<semaphore_mem>>) attributes {dimension_semantics = [#tpu.dimension_semantics<core_parallel>, #tpu.dimension_semantics<subcore_parallel>], iteration_bounds = array<i64: 2, 16>, scalar_prefetch = 0 : i64, scratch_operands = 3 : i64, tpu.core_type = #tpu.core_type<sc_vector_subcore>, window_params = [{transform_indices = #map}, {transform_indices = #map}, {transform_indices = #map1}]} {
    %mul3A = arith.constant 2 : i32
    %mul3A_0 = arith.muli %arg1, %mul3A : i32
    %add3A = arith.addi %mul3A_0, %arg0 : i32
    "tpu.region"() ({
      %run_scoped3A = tpu.sem_alloc : memref<!tpu.dma_semaphore, #tpu.memory_space<semaphore_mem>>
      %dma_start3A_7 = arith.constant 0 : i32
      %dma_start3A_8 = tpu.memref_slice %arg3[%add3A, %dma_start3A_7] : memref<32x128xi32, #tpu.memory_space<hbm>> -> memref<1x128xi32, #tpu.memory_space<hbm>>
      %dma_start3A_9 = tpu.memref_squeeze %dma_start3A_8 : memref<1x128xi32, #tpu.memory_space<hbm>> -> memref<128xi32, #tpu.memory_space<hbm>>
      %dma_start3A_10 = arith.constant 0 : i32
      %dma_start3A_11 = tpu.memref_slice %arg3[%add3A, %dma_start3A_10] : memref<32x128xi32, #tpu.memory_space<hbm>> -> memref<1x128xi32, #tpu.memory_space<hbm>>
      %dma_start3A_12 = tpu.memref_squeeze %dma_start3A_11 : memref<1x128xi32, #tpu.memory_space<hbm>> -> memref<128xi32, #tpu.memory_space<hbm>>
      tpu.enqueue_dma source(%dma_start3A_12 : memref<128xi32, #tpu.memory_space<hbm>>) target(%arg5 : memref<128xi32, #tpu.memory_space<vmem>>) target_semaphore(%run_scoped3A : memref<!tpu.dma_semaphore, #tpu.memory_space<semaphore_mem>>)
      %dma_wait3A_13 = arith.constant 0 : i32
      %dma_wait3A_14 = tpu.memref_slice %arg3[%add3A, %dma_wait3A_13] : memref<32x128xi32, #tpu.memory_space<hbm>> -> memref<1x128xi32, #tpu.memory_space<hbm>>
      %dma_wait3A_15 = tpu.memref_squeeze %dma_wait3A_14 : memref<1x128xi32, #tpu.memory_space<hbm>> -> memref<128xi32, #tpu.memory_space<hbm>>
      %dma_wait3A_16 = arith.constant 0 : i32
      %dma_wait3A_17 = tpu.memref_slice %arg3[%add3A, %dma_wait3A_16] : memref<32x128xi32, #tpu.memory_space<hbm>> -> memref<1x128xi32, #tpu.memory_space<hbm>>
      %dma_wait3A_18 = tpu.memref_squeeze %dma_wait3A_17 : memref<1x128xi32, #tpu.memory_space<hbm>> -> memref<128xi32, #tpu.memory_space<hbm>>
      tpu.wait_dma2 semaphore(%run_scoped3A : memref<!tpu.dma_semaphore, #tpu.memory_space<semaphore_mem>>) src(%dma_wait3A_18 : memref<128xi32, #tpu.memory_space<hbm>>) dst(%arg5 : memref<128xi32, #tpu.memory_space<vmem>>)
      tpu.yield
    }) : () -> ()
    %dma_start3A = arith.constant 0 : i32
    %dma_start3A_1 = arith.constant 0 : i32
    %dma_start3A_2 = tpu.memref_slice %arg2[%dma_start3A, %dma_start3A_1] : memref<32x16xf32, #tpu.memory_space<hbm>> -> memref<32x16xf32, #tpu.memory_space<hbm>>
    tpu.enqueue_indirect_dma source(%dma_start3A_2 : memref<32x16xf32, #tpu.memory_space<hbm>>) target(%arg6 : memref<128x16xf32, #tpu.memory_space<vmem>>) offsets(%arg5 : memref<128xi32, #tpu.memory_space<vmem>>) semaphore(%arg7 : memref<!tpu.dma_semaphore, #tpu.memory_space<semaphore_mem>>)
    %dma_wait3A = arith.constant 0 : i32
    %dma_wait3A_3 = arith.constant 0 : i32
    %dma_wait3A_4 = tpu.memref_slice %arg2[%dma_wait3A, %dma_wait3A_3] : memref<32x16xf32, #tpu.memory_space<hbm>> -> memref<32x16xf32, #tpu.memory_space<hbm>>
    tpu.wait_indirect_dma semaphore(%arg7 : memref<!tpu.dma_semaphore, #tpu.memory_space<semaphore_mem>>) src(%dma_wait3A_4 : memref<32x16xf32, #tpu.memory_space<hbm>>) dst(%arg6 : memref<128x16xf32, #tpu.memory_space<vmem>>)
    "tpu.region"() ({
      %run_scoped3A = tpu.sem_alloc : memref<!tpu.dma_semaphore, #tpu.memory_space<semaphore_mem>>
      %dma_start3A_7 = arith.constant 0 : i32
      %dma_start3A_8 = arith.constant 0 : i32
      %dma_start3A_9 = tpu.memref_slice %arg4[%add3A, %dma_start3A_7, %dma_start3A_8] : memref<40x128x16xf32, #tpu.memory_space<hbm>> -> memref<1x128x16xf32, #tpu.memory_space<hbm>>
      %dma_start3A_10 = tpu.memref_squeeze %dma_start3A_9 : memref<1x128x16xf32, #tpu.memory_space<hbm>> -> memref<128x16xf32, #tpu.memory_space<hbm>>
      %dma_start3A_11 = arith.constant 0 : i32
      %dma_start3A_12 = arith.constant 0 : i32
      %dma_start3A_13 = tpu.memref_slice %arg4[%add3A, %dma_start3A_11, %dma_start3A_12] : memref<40x128x16xf32, #tpu.memory_space<hbm>> -> memref<1x128x16xf32, #tpu.memory_space<hbm>>
      %dma_start3A_14 = tpu.memref_squeeze %dma_start3A_13 : memref<1x128x16xf32, #tpu.memory_space<hbm>> -> memref<128x16xf32, #tpu.memory_space<hbm>>
      tpu.enqueue_dma source(%arg6 : memref<128x16xf32, #tpu.memory_space<vmem>>) target(%dma_start3A_14 : memref<128x16xf32, #tpu.memory_space<hbm>>) target_semaphore(%run_scoped3A : memref<!tpu.dma_semaphore, #tpu.memory_space<semaphore_mem>>)
      %dma_wait3A_15 = arith.constant 0 : i32
      %dma_wait3A_16 = arith.constant 0 : i32
      %dma_wait3A_17 = tpu.memref_slice %arg4[%add3A, %dma_wait3A_15, %dma_wait3A_16] : memref<40x128x16xf32, #tpu.memory_space<hbm>> -> memref<1x128x16xf32, #tpu.memory_space<hbm>>
      %dma_wait3A_18 = tpu.memref_squeeze %dma_wait3A_17 : memref<1x128x16xf32, #tpu.memory_space<hbm>> -> memref<128x16xf32, #tpu.memory_space<hbm>>
      %dma_wait3A_19 = arith.constant 0 : i32
      %dma_wait3A_20 = arith.constant 0 : i32
      %dma_wait3A_21 = tpu.memref_slice %arg4[%add3A, %dma_wait3A_19, %dma_wait3A_20] : memref<40x128x16xf32, #tpu.memory_space<hbm>> -> memref<1x128x16xf32, #tpu.memory_space<hbm>>
      %dma_wait3A_22 = tpu.memref_squeeze %dma_wait3A_21 : memref<1x128x16xf32, #tpu.memory_space<hbm>> -> memref<128x16xf32, #tpu.memory_space<hbm>>
      tpu.wait_dma2 semaphore(%run_scoped3A : memref<!tpu.dma_semaphore, #tpu.memory_space<semaphore_mem>>) src(%arg6 : memref<128x16xf32, #tpu.memory_space<vmem>>) dst(%dma_wait3A_22 : memref<128x16xf32, #tpu.memory_space<hbm>>)
      tpu.yield
    }) : () -> ()
    %lt3A = arith.constant 8 : i32
    %lt3A_5 = arith.cmpi slt, %add3A, %lt3A : i32
    %convert_element_type3A = arith.extui %lt3A_5 : i1 to i32
    %cond3A = arith.constant 0 : i32
    %cond3A_6 = arith.cmpi ne, %convert_element_type3A, %cond3A : i32
    scf.if %cond3A_6 {
      %add3A_7 = arith.constant 32 : i32
      %add3A_8 = arith.addi %add3A, %add3A_7 : i32
      "tpu.region"() ({
        %run_scoped3A = tpu.sem_alloc : memref<!tpu.dma_semaphore, #tpu.memory_space<semaphore_mem>>
        %dma_start3A_9 = arith.constant 0 : i32
        %dma_start3A_10 = arith.constant 0 : i32
        %dma_start3A_11 = tpu.memref_slice %arg4[%add3A_8, %dma_start3A_9, %dma_start3A_10] : memref<40x128x16xf32, #tpu.memory_space<hbm>> -> memref<1x128x16xf32, #tpu.memory_space<hbm>>
        %dma_start3A_12 = tpu.memref_squeeze %dma_start3A_11 : memref<1x128x16xf32, #tpu.memory_space<hbm>> -> memref<128x16xf32, #tpu.memory_space<hbm>>
        %dma_start3A_13 = arith.constant 0 : i32
        %dma_start3A_14 = arith.constant 0 : i32
        %dma_start3A_15 = tpu.memref_slice %arg4[%add3A_8, %dma_start3A_13, %dma_start3A_14] : memref<40x128x16xf32, #tpu.memory_space<hbm>> -> memref<1x128x16xf32, #tpu.memory_space<hbm>>
        %dma_start3A_16 = tpu.memref_squeeze %dma_start3A_15 : memref<1x128x16xf32, #tpu.memory_space<hbm>> -> memref<128x16xf32, #tpu.memory_space<hbm>>
        tpu.enqueue_dma source(%arg6 : memref<128x16xf32, #tpu.memory_space<vmem>>) target(%dma_start3A_16 : memref<128x16xf32, #tpu.memory_space<hbm>>) target_semaphore(%run_scoped3A : memref<!tpu.dma_semaphore, #tpu.memory_space<semaphore_mem>>)
        %dma_wait3A_17 = arith.constant 0 : i32
        %dma_wait3A_18 = arith.constant 0 : i32
        %dma_wait3A_19 = tpu.memref_slice %arg4[%add3A_8, %dma_wait3A_17, %dma_wait3A_18] : memref<40x128x16xf32, #tpu.memory_space<hbm>> -> memref<1x128x16xf32, #tpu.memory_space<hbm>>
        %dma_wait3A_20 = tpu.memref_squeeze %dma_wait3A_19 : memref<1x128x16xf32, #tpu.memory_space<hbm>> -> memref<128x16xf32, #tpu.memory_space<hbm>>
        %dma_wait3A_21 = arith.constant 0 : i32
        %dma_wait3A_22 = arith.constant 0 : i32
        %dma_wait3A_23 = tpu.memref_slice %arg4[%add3A_8, %dma_wait3A_21, %dma_wait3A_22] : memref<40x128x16xf32, #tpu.memory_space<hbm>> -> memref<1x128x16xf32, #tpu.memory_space<hbm>>
        %dma_wait3A_24 = tpu.memref_squeeze %dma_wait3A_23 : memref<1x128x16xf32, #tpu.memory_space<hbm>> -> memref<128x16xf32, #tpu.memory_space<hbm>>
        tpu.wait_dma2 semaphore(%run_scoped3A : memref<!tpu.dma_semaphore, #tpu.memory_space<semaphore_mem>>) src(%arg6 : memref<128x16xf32, #tpu.memory_space<vmem>>) dst(%dma_wait3A_24 : memref<128x16xf32, #tpu.memory_space<hbm>>)
        tpu.yield
      }) : () -> ()
    } else {
    }
    return
  }
}

module attributes {stable_mosaic.version = 14 : i64} {
  func.func @_bucket_kernel(%arg0: memref<1x1xi32, #tpu.memory_space<smem>>, %arg1: memref<32x128xi32, #tpu.memory_space<vmem>>) attributes {dimension_semantics = [], scalar_prefetch = 0 : i64, scratch_operands = 0 : i64, tpu.core_type = #tpu.core_type<tc>} {
    %iota3A = tpu.iota {dimensions = array<i32: 0>} : vector<32x128xi32>
    %iota3A_0 = tpu.iota {dimensions = array<i32: 1>} : vector<32x128xi32>
    %mul3A = arith.constant 128 : i32
    %mul3A_1 = vector.broadcast %mul3A : i32 to vector<32x128xi32>
    %mul3A_2 = arith.muli %iota3A, %mul3A_1 : vector<32x128xi32>
    %add3A = arith.addi %mul3A_2, %iota3A_0 : vector<32x128xi32>
    %get3A = arith.constant 0 : index
    %get3A_3 = arith.constant 0 : index
    %get3A_4 = memref.load %arg0[%get3A, %get3A_3] : memref<1x1xi32, #tpu.memory_space<smem>>
    %add3A_5 = arith.constant 2047 : i32
    %add3A_6 = arith.addi %get3A_4, %add3A_5 : i32
    %sub3A = vector.broadcast %add3A_6 : i32 to vector<32x128xi32>
    %sub3A_7 = arith.subi %sub3A, %add3A : vector<32x128xi32>
    %gt3A = arith.constant 0 : i32
    %gt3A_8 = vector.broadcast %gt3A : i32 to vector<32x128xi32>
    %gt3A_9 = arith.cmpi sgt, %sub3A_7, %gt3A_8 : vector<32x128xi32>
    %jit3A = arith.constant 16 : i32
    %jit3A_10 = arith.constant 0 : i32
    %broadcast_in_dim3A = vector.broadcast %jit3A : i32 to vector<32x128xi32>
    %broadcast_in_dim3A_11 = vector.broadcast %jit3A_10 : i32 to vector<32x128xi32>
    %select_n3A = arith.select %gt3A_9, %broadcast_in_dim3A, %broadcast_in_dim3A_11 : vector<32x128xi1>, vector<32x128xi32>
    %abs3A = math.absi %sub3A_7 : vector<32x128xi32>
    %lt3A = arith.constant 8 : i32
    %lt3A_12 = vector.broadcast %lt3A : i32 to vector<32x128xi32>
    %lt3A_13 = arith.cmpi slt, %abs3A, %lt3A_12 : vector<32x128xi32>
    %max3A = arith.constant 1 : i32
    %max3A_14 = vector.broadcast %max3A : i32 to vector<32x128xi32>
    %max3A_15 = arith.maxsi %abs3A, %max3A_14 : vector<32x128xi32>
    %convert_element_type3A = arith.sitofp %max3A_15 : vector<32x128xi32> to vector<32x128xf32>
    %div3A = arith.constant 8.000000e+00 : f32
    %div3A_16 = vector.broadcast %div3A : f32 to vector<32x128xf32>
    %div3A_17 = arith.divf %convert_element_type3A, %div3A_16 : vector<32x128xf32>
    %log3A = math.log %div3A_17 : vector<32x128xf32>
    %div3A_18 = arith.constant 2.77258873 : f32
    %div3A_19 = vector.broadcast %div3A_18 : f32 to vector<32x128xf32>
    %div3A_20 = arith.divf %log3A, %div3A_19 : vector<32x128xf32>
    %mul3A_21 = arith.constant 8.000000e+00 : f32
    %mul3A_22 = vector.broadcast %mul3A_21 : f32 to vector<32x128xf32>
    %mul3A_23 = arith.mulf %div3A_20, %mul3A_22 : vector<32x128xf32>
    %convert_element_type3A_24 = arith.fptosi %mul3A_23 : vector<32x128xf32> to vector<32x128xi32>
    %add3A_25 = arith.constant 8 : i32
    %add3A_26 = vector.broadcast %add3A_25 : i32 to vector<32x128xi32>
    %add3A_27 = arith.addi %add3A_26, %convert_element_type3A_24 : vector<32x128xi32>
    %min3A = arith.constant 15 : i32
    %min3A_28 = vector.broadcast %min3A : i32 to vector<32x128xi32>
    %min3A_29 = arith.minsi %add3A_27, %min3A_28 : vector<32x128xi32>
    %select_n3A_30 = arith.select %lt3A_13, %abs3A, %min3A_29 : vector<32x128xi1>, vector<32x128xi32>
    %add3A_31 = arith.addi %select_n3A, %select_n3A_30 : vector<32x128xi32>
    %swap3A = arith.constant 0 : index
    %swap3A_32 = arith.constant 0 : index
    %swap3A_33 = vector.load %arg1[%swap3A, %swap3A_32] : memref<32x128xi32, #tpu.memory_space<vmem>>, vector<32x128xi32>
    tpu.vector_store %arg1[%swap3A, %swap3A_32], %add3A_31 {strides = array<i32>} : memref<32x128xi32, #tpu.memory_space<vmem>>, vector<32x128xi32>,
    return
  }
}

module attributes {stable_mosaic.version = 14 : i64} {
  func.func @_expand_kernel(%arg0: i32, %arg1: memref<40x2048xf32, #tpu.memory_space<vmem>>, %arg2: memref<16x64x2048xf32, #tpu.memory_space<vmem>>) attributes {dimension_semantics = [#tpu.dimension_semantics<arbitrary>], iteration_bounds = array<i64: 32>, scalar_prefetch = 0 : i64, scratch_operands = 0 : i64, tpu.core_type = #tpu.core_type<tc>, window_params = [{pipeline_mode = #tpu.pipeline_mode<synchronous>, transform_indices = @transform_0, window_bounds = array<i64: 40, 2048>}, {transform_indices = @transform_1, window_bounds = array<i64: 16, 64, 2048>}]} {
    %iota3A = tpu.iota {dimensions = array<i32: 1>} : vector<32x2048xi32>
    %mul3A = arith.constant 4 : i32
    %mul3A_0 = arith.muli %mul3A, %arg0 : i32
    %add3A = arith.constant 0 : i32
    %add3A_1 = arith.addi %mul3A_0, %add3A : i32
    %mul3A_2 = arith.constant 16 : i32
    %mul3A_3 = arith.muli %mul3A_2, %add3A_1 : i32
    %add3A_4 = arith.constant 16 : i32
    %add3A_5 = arith.addi %mul3A_3, %add3A_4 : i32
    %and3A = arith.constant 2047 : i32
    %and3A_6 = arith.andi %add3A_5, %and3A : i32
    %get3A = arith.constant 0 : index
    %get3A_7 = arith.constant 0 : index
    %get3A_8 = vector.load %arg1[%get3A, %get3A_7] : memref<40x2048xf32, #tpu.memory_space<vmem>>, vector<40x2048xf32>
    %roll3A = tpu.dynamic_rotate %get3A_8 by %and3A_6 dim 1 : vector<40x2048xf32>, i32 -> vector<40x2048xf32>
    %lt3A = vector.broadcast %add3A_5 : i32 to vector<32x2048xi32>
    %lt3A_9 = arith.cmpi slt, %iota3A, %lt3A : vector<32x2048xi32>
    %slice3A = vector.extract_strided_slice %roll3A {offsets = [0, 0], sizes = [32, 2048], strides = [1, 1]} : vector<40x2048xf32> to vector<32x2048xf32>
    %slice3A_10 = vector.extract_strided_slice %roll3A {offsets = [1, 0], sizes = [32, 2048], strides = [1, 1]} : vector<40x2048xf32> to vector<32x2048xf32>
    %select_n3A = arith.select %lt3A_9, %slice3A, %slice3A_10 : vector<32x2048xi1>, vector<32x2048xf32>
    %slice3A_11 = vector.extract_strided_slice %select_n3A {offsets = [15, 0], sizes = [16, 2048], strides = [1, 1]} : vector<32x2048xf32> to vector<16x2048xf32>
    %swap3A = arith.constant 0 : index
    %swap3A_12 = arith.constant 0 : index
    %swap3A_13 = arith.constant 0 : index
    %swap3A_14 = vector.load %arg2[%swap3A, %swap3A_12, %swap3A_13] : memref<16x64x2048xf32, #tpu.memory_space<vmem>>, vector<1x16x2048xf32>
    %swap3A_15 = vector.shape_cast %swap3A_14 : vector<1x16x2048xf32> to vector<16x2048xf32>
    %swap3A_16 = vector.shape_cast %slice3A_11 : vector<16x2048xf32> to vector<1x16x2048xf32>
    tpu.vector_store %arg2[%swap3A, %swap3A_12, %swap3A_13], %swap3A_16 {strides = array<i32>} : memref<16x64x2048xf32, #tpu.memory_space<vmem>>, vector<1x16x2048xf32>,
    %slice3A_17 = vector.extract_strided_slice %select_n3A {offsets = [14, 0], sizes = [16, 2048], strides = [1, 1]} : vector<32x2048xf32> to vector<16x2048xf32>
    %swap3A_18 = arith.constant 1 : index
    %swap3A_19 = arith.constant 0 : index
    %swap3A_20 = arith.constant 0 : index
    %swap3A_21 = vector.load %arg2[%swap3A_18, %swap3A_19, %swap3A_20] : memref<16x64x2048xf32, #tpu.memory_space<vmem>>, vector<1x16x2048xf32>
    %swap3A_22 = vector.shape_cast %swap3A_21 : vector<1x16x2048xf32> to vector<16x2048xf32>
    %swap3A_23 = vector.shape_cast %slice3A_17 : vector<16x2048xf32> to vector<1x16x2048xf32>
    tpu.vector_store %arg2[%swap3A_18, %swap3A_19, %swap3A_20], %swap3A_23 {strides = array<i32>} : memref<16x64x2048xf32, #tpu.memory_space<vmem>>, vector<1x16x2048xf32>,
    %slice3A_24 = vector.extract_strided_slice %select_n3A {offsets = [13, 0], sizes = [16, 2048], strides = [1, 1]} : vector<32x2048xf32> to vector<16x2048xf32>
    %swap3A_25 = arith.constant 2 : index
    %swap3A_26 = arith.constant 0 : index
    %swap3A_27 = arith.constant 0 : index
    %swap3A_28 = vector.load %arg2[%swap3A_25, %swap3A_26, %swap3A_27] : memref<16x64x2048xf32, #tpu.memory_space<vmem>>, vector<1x16x2048xf32>
    %swap3A_29 = vector.shape_cast %swap3A_28 : vector<1x16x2048xf32> to vector<16x2048xf32>
    %swap3A_30 = vector.shape_cast %slice3A_24 : vector<16x2048xf32> to vector<1x16x2048xf32>
    tpu.vector_store %arg2[%swap3A_25, %swap3A_26, %swap3A_27], %swap3A_30 {strides = array<i32>} : memref<16x64x2048xf32, #tpu.memory_space<vmem>>, vector<1x16x2048xf32>,
    %slice3A_31 = vector.extract_strided_slice %select_n3A {offsets = [12, 0], sizes = [16, 2048], strides = [1, 1]} : vector<32x2048xf32> to vector<16x2048xf32>
    %swap3A_32 = arith.constant 3 : index
    %swap3A_33 = arith.constant 0 : index
    %swap3A_34 = arith.constant 0 : index
    %swap3A_35 = vector.load %arg2[%swap3A_32, %swap3A_33, %swap3A_34] : memref<16x64x2048xf32, #tpu.memory_space<vmem>>, vector<1x16x2048xf32>
    %swap3A_36 = vector.shape_cast %swap3A_35 : vector<1x16x2048xf32> to vector<16x2048xf32>
    %swap3A_37 = vector.shape_cast %slice3A_31 : vector<16x2048xf32> to vector<1x16x2048xf32>
    tpu.vector_store %arg2[%swap3A_32, %swap3A_33, %swap3A_34], %swap3A_37 {strides = array<i32>} : memref<16x64x2048xf32, #tpu.memory_space<vmem>>, vector<1x16x2048xf32>,
    %slice3A_38 = vector.extract_strided_slice %select_n3A {offsets = [11, 0], sizes = [16, 2048], strides = [1, 1]} : vector<32x2048xf32> to vector<16x2048xf32>
    %swap3A_39 = arith.constant 4 : index
    %swap3A_40 = arith.constant 0 : index
    %swap3A_41 = arith.constant 0 : index
    %swap3A_42 = vector.load %arg2[%swap3A_39, %swap3A_40, %swap3A_41] : memref<16x64x2048xf32, #tpu.memory_space<vmem>>, vector<1x16x2048xf32>
    %swap3A_43 = vector.shape_cast %swap3A_42 : vector<1x16x2048xf32> to vector<16x2048xf32>
    %swap3A_44 = vector.shape_cast %slice3A_38 : vector<16x2048xf32> to vector<1x16x2048xf32>
    tpu.vector_store %arg2[%swap3A_39, %swap3A_40, %swap3A_41], %swap3A_44 {strides = array<i32>} : memref<16x64x2048xf32, #tpu.memory_space<vmem>>, vector<1x16x2048xf32>,
    %slice3A_45 = vector.extract_strided_slice %select_n3A {offsets = [10, 0], sizes = [16, 2048], strides = [1, 1]} : vector<32x2048xf32> to vector<16x2048xf32>
    %swap3A_46 = arith.constant 5 : index
    %swap3A_47 = arith.constant 0 : index
    %swap3A_48 = arith.constant 0 : index
    %swap3A_49 = vector.load %arg2[%swap3A_46, %swap3A_47, %swap3A_48] : memref<16x64x2048xf32, #tpu.memory_space<vmem>>, vector<1x16x2048xf32>
    %swap3A_50 = vector.shape_cast %swap3A_49 : vector<1x16x2048xf32> to vector<16x2048xf32>
    %swap3A_51 = vector.shape_cast %slice3A_45 : vector<16x2048xf32> to vector<1x16x2048xf32>
    tpu.vector_store %arg2[%swap3A_46, %swap3A_47, %swap3A_48], %swap3A_51 {strides = array<i32>} : memref<16x64x2048xf32, #tpu.memory_space<vmem>>, vector<1x16x2048xf32>,
    %slice3A_52 = vector.extract_strided_slice %select_n3A {offsets = [9, 0], sizes = [16, 2048], strides = [1, 1]} : vector<32x2048xf32> to vector<16x2048xf32>
    %swap3A_53 = arith.constant 6 : index
    %swap3A_54 = arith.constant 0 : index
    %swap3A_55 = arith.constant 0 : index
    %swap3A_56 = vector.load %arg2[%swap3A_53, %swap3A_54, %swap3A_55] : memref<16x64x2048xf32, #tpu.memory_space<vmem>>, vector<1x16x2048xf32>
    %swap3A_57 = vector.shape_cast %swap3A_56 : vector<1x16x2048xf32> to vector<16x2048xf32>
    %swap3A_58 = vector.shape_cast %slice3A_52 : vector<16x2048xf32> to vector<1x16x2048xf32>
    tpu.vector_store %arg2[%swap3A_53, %swap3A_54, %swap3A_55], %swap3A_58 {strides = array<i32>} : memref<16x64x2048xf32, #tpu.memory_space<vmem>>, vector<1x16x2048xf32>,
    %slice3A_59 = vector.extract_strided_slice %select_n3A {offsets = [8, 0], sizes = [16, 2048], strides = [1, 1]} : vector<32x2048xf32> to vector<16x2048xf32>
    %swap3A_60 = arith.constant 7 : index
    %swap3A_61 = arith.constant 0 : index
    %swap3A_62 = arith.constant 0 : index
    %swap3A_63 = vector.load %arg2[%swap3A_60, %swap3A_61, %swap3A_62] : memref<16x64x2048xf32, #tpu.memory_space<vmem>>, vector<1x16x2048xf32>
    %swap3A_64 = vector.shape_cast %swap3A_63 : vector<1x16x2048xf32> to vector<16x2048xf32>
    %swap3A_65 = vector.shape_cast %slice3A_59 : vector<16x2048xf32> to vector<1x16x2048xf32>
    tpu.vector_store %arg2[%swap3A_60, %swap3A_61, %swap3A_62], %swap3A_65 {strides = array<i32>} : memref<16x64x2048xf32, #tpu.memory_space<vmem>>, vector<1x16x2048xf32>,
    %slice3A_66 = vector.extract_strided_slice %select_n3A {offsets = [7, 0], sizes = [16, 2048], strides = [1, 1]} : vector<32x2048xf32> to vector<16x2048xf32>
    %swap3A_67 = arith.constant 8 : index
    %swap3A_68 = arith.constant 0 : index
    %swap3A_69 = arith.constant 0 : index
    %swap3A_70 = vector.load %arg2[%swap3A_67, %swap3A_68, %swap3A_69] : memref<16x64x2048xf32, #tpu.memory_space<vmem>>, vector<1x16x2048xf32>
    %swap3A_71 = vector.shape_cast %swap3A_70 : vector<1x16x2048xf32> to vector<16x2048xf32>
    %swap3A_72 = vector.shape_cast %slice3A_66 : vector<16x2048xf32> to vector<1x16x2048xf32>
    tpu.vector_store %arg2[%swap3A_67, %swap3A_68, %swap3A_69], %swap3A_72 {strides = array<i32>} : memref<16x64x2048xf32, #tpu.memory_space<vmem>>, vector<1x16x2048xf32>,
    %slice3A_73 = vector.extract_strided_slice %select_n3A {offsets = [6, 0], sizes = [16, 2048], strides = [1, 1]} : vector<32x2048xf32> to vector<16x2048xf32>
    %swap3A_74 = arith.constant 9 : index
    %swap3A_75 = arith.constant 0 : index
    %swap3A_76 = arith.constant 0 : index
    %swap3A_77 = vector.load %arg2[%swap3A_74, %swap3A_75, %swap3A_76] : memref<16x64x2048xf32, #tpu.memory_space<vmem>>, vector<1x16x2048xf32>
    %swap3A_78 = vector.shape_cast %swap3A_77 : vector<1x16x2048xf32> to vector<16x2048xf32>
    %swap3A_79 = vector.shape_cast %slice3A_73 : vector<16x2048xf32> to vector<1x16x2048xf32>
    tpu.vector_store %arg2[%swap3A_74, %swap3A_75, %swap3A_76], %swap3A_79 {strides = array<i32>} : memref<16x64x2048xf32, #tpu.memory_space<vmem>>, vector<1x16x2048xf32>,
    %slice3A_80 = vector.extract_strided_slice %select_n3A {offsets = [5, 0], sizes = [16, 2048], strides = [1, 1]} : vector<32x2048xf32> to vector<16x2048xf32>
    %swap3A_81 = arith.constant 10 : index
    %swap3A_82 = arith.constant 0 : index
    %swap3A_83 = arith.constant 0 : index
    %swap3A_84 = vector.load %arg2[%swap3A_81, %swap3A_82, %swap3A_83] : memref<16x64x2048xf32, #tpu.memory_space<vmem>>, vector<1x16x2048xf32>
    %swap3A_85 = vector.shape_cast %swap3A_84 : vector<1x16x2048xf32> to vector<16x2048xf32>
    %swap3A_86 = vector.shape_cast %slice3A_80 : vector<16x2048xf32> to vector<1x16x2048xf32>
    tpu.vector_store %arg2[%swap3A_81, %swap3A_82, %swap3A_83], %swap3A_86 {strides = array<i32>} : memref<16x64x2048xf32, #tpu.memory_space<vmem>>, vector<1x16x2048xf32>,
    %slice3A_87 = vector.extract_strided_slice %select_n3A {offsets = [4, 0], sizes = [16, 2048], strides = [1, 1]} : vector<32x2048xf32> to vector<16x2048xf32>
    %swap3A_88 = arith.constant 11 : index
    %swap3A_89 = arith.constant 0 : index
    %swap3A_90 = arith.constant 0 : index
    %swap3A_91 = vector.load %arg2[%swap3A_88, %swap3A_89, %swap3A_90] : memref<16x64x2048xf32, #tpu.memory_space<vmem>>, vector<1x16x2048xf32>
    %swap3A_92 = vector.shape_cast %swap3A_91 : vector<1x16x2048xf32> to vector<16x2048xf32>
    %swap3A_93 = vector.shape_cast %slice3A_87 : vector<16x2048xf32> to vector<1x16x2048xf32>
    tpu.vector_store %arg2[%swap3A_88, %swap3A_89, %swap3A_90], %swap3A_93 {strides = array<i32>} : memref<16x64x2048xf32, #tpu.memory_space<vmem>>, vector<1x16x2048xf32>,
    %slice3A_94 = vector.extract_strided_slice %select_n3A {offsets = [3, 0], sizes = [16, 2048], strides = [1, 1]} : vector<32x2048xf32> to vector<16x2048xf32>
    %swap3A_95 = arith.constant 12 : index
    %swap3A_96 = arith.constant 0 : index
    %swap3A_97 = arith.constant 0 : index
    %swap3A_98 = vector.load %arg2[%swap3A_95, %swap3A_96, %swap3A_97] : memref<16x64x2048xf32, #tpu.memory_space<vmem>>, vector<1x16x2048xf32>
    %swap3A_99 = vector.shape_cast %swap3A_98 : vector<1x16x2048xf32> to vector<16x2048xf32>
    %swap3A_100 = vector.shape_cast %slice3A_94 : vector<16x2048xf32> to vector<1x16x2048xf32>
    tpu.vector_store %arg2[%swap3A_95, %swap3A_96, %swap3A_97], %swap3A_100 {strides = array<i32>} : memref<16x64x2048xf32, #tpu.memory_space<vmem>>, vector<1x16x2048xf32>,
    %slice3A_101 = vector.extract_strided_slice %select_n3A {offsets = [2, 0], sizes = [16, 2048], strides = [1, 1]} : vector<32x2048xf32> to vector<16x2048xf32>
    %swap3A_102 = arith.constant 13 : index
    %swap3A_103 = arith.constant 0 : index
    %swap3A_104 = arith.constant 0 : index
    %swap3A_105 = vector.load %arg2[%swap3A_102, %swap3A_103, %swap3A_104] : memref<16x64x2048xf32, #tpu.memory_space<vmem>>, vector<1x16x2048xf32>
    %swap3A_106 = vector.shape_cast %swap3A_105 : vector<1x16x2048xf32> to vector<16x2048xf32>
    %swap3A_107 = vector.shape_cast %slice3A_101 : vector<16x2048xf32> to vector<1x16x2048xf32>
    tpu.vector_store %arg2[%swap3A_102, %swap3A_103, %swap3A_104], %swap3A_107 {strides = array<i32>} : memref<16x64x2048xf32, #tpu.memory_space<vmem>>, vector<1x16x2048xf32>,
    %slice3A_108 = vector.extract_strided_slice %select_n3A {offsets = [1, 0], sizes = [16, 2048], strides = [1, 1]} : vector<32x2048xf32> to vector<16x2048xf32>
    %swap3A_109 = arith.constant 14 : index
    %swap3A_110 = arith.constant 0 : index
    %swap3A_111 = arith.constant 0 : index
    %swap3A_112 = vector.load %arg2[%swap3A_109, %swap3A_110, %swap3A_111] : memref<16x64x2048xf32, #tpu.memory_space<vmem>>, vector<1x16x2048xf32>
    %swap3A_113 = vector.shape_cast %swap3A_112 : vector<1x16x2048xf32> to vector<16x2048xf32>
    %swap3A_114 = vector.shape_cast %slice3A_108 : vector<16x2048xf32> to vector<1x16x2048xf32>
    tpu.vector_store %arg2[%swap3A_109, %swap3A_110, %swap3A_111], %swap3A_114 {strides = array<i32>} : memref<16x64x2048xf32, #tpu.memory_space<vmem>>, vector<1x16x2048xf32>,
    %slice3A_115 = vector.extract_strided_slice %select_n3A {offsets = [0, 0], sizes = [16, 2048], strides = [1, 1]} : vector<32x2048xf32> to vector<16x2048xf32>
    %swap3A_116 = arith.constant 15 : index
    %swap3A_117 = arith.constant 0 : index
    %swap3A_118 = arith.constant 0 : index
    %swap3A_119 = vector.load %arg2[%swap3A_116, %swap3A_117, %swap3A_118] : memref<16x64x2048xf32, #tpu.memory_space<vmem>>, vector<1x16x2048xf32>
    %swap3A_120 = vector.shape_cast %swap3A_119 : vector<1x16x2048xf32> to vector<16x2048xf32>
    %swap3A_121 = vector.shape_cast %slice3A_115 : vector<16x2048xf32> to vector<1x16x2048xf32>
    tpu.vector_store %arg2[%swap3A_116, %swap3A_117, %swap3A_118], %swap3A_121 {strides = array<i32>} : memref<16x64x2048xf32, #tpu.memory_space<vmem>>, vector<1x16x2048xf32>,
    %mul3A_122 = arith.constant 4 : i32
    %mul3A_123 = arith.muli %mul3A_122, %arg0 : i32
    %add3A_124 = arith.constant 1 : i32
    %add3A_125 = arith.addi %mul3A_123, %add3A_124 : i32
    %mul3A_126 = arith.constant 16 : i32
    %mul3A_127 = arith.muli %mul3A_126, %add3A_125 : i32
    %add3A_128 = arith.constant 16 : i32
    %add3A_129 = arith.addi %mul3A_127, %add3A_128 : i32
    %and3A_130 = arith.constant 2047 : i32
    %and3A_131 = arith.andi %add3A_129, %and3A_130 : i32
    %get3A_132 = arith.constant 0 : index
    %get3A_133 = arith.constant 0 : index
    %get3A_134 = vector.load %arg1[%get3A_132, %get3A_133] : memref<40x2048xf32, #tpu.memory_space<vmem>>, vector<40x2048xf32>
    %roll3A_135 = tpu.dynamic_rotate %get3A_134 by %and3A_131 dim 1 : vector<40x2048xf32>, i32 -> vector<40x2048xf32>
    %lt3A_136 = vector.broadcast %add3A_129 : i32 to vector<32x2048xi32>
    %lt3A_137 = arith.cmpi slt, %iota3A, %lt3A_136 : vector<32x2048xi32>
    %slice3A_138 = vector.extract_strided_slice %roll3A_135 {offsets = [0, 0], sizes = [32, 2048], strides = [1, 1]} : vector<40x2048xf32> to vector<32x2048xf32>
    %slice3A_139 = vector.extract_strided_slice %roll3A_135 {offsets = [1, 0], sizes = [32, 2048], strides = [1, 1]} : vector<40x2048xf32> to vector<32x2048xf32>
    %select_n3A_140 = arith.select %lt3A_137, %slice3A_138, %slice3A_139 : vector<32x2048xi1>, vector<32x2048xf32>
    %slice3A_141 = vector.extract_strided_slice %select_n3A_140 {offsets = [15, 0], sizes = [16, 2048], strides = [1, 1]} : vector<32x2048xf32> to vector<16x2048xf32>
    %swap3A_142 = arith.constant 0 : index
    %swap3A_143 = arith.constant 16 : index
    %swap3A_144 = arith.constant 0 : index
    %swap3A_145 = vector.load %arg2[%swap3A_142, %swap3A_143, %swap3A_144] : memref<16x64x2048xf32, #tpu.memory_space<vmem>>, vector<1x16x2048xf32>
    %swap3A_146 = vector.shape_cast %swap3A_145 : vector<1x16x2048xf32> to vector<16x2048xf32>
    %swap3A_147 = vector.shape_cast %slice3A_141 : vector<16x2048xf32> to vector<1x16x2048xf32>
    tpu.vector_store %arg2[%swap3A_142, %swap3A_143, %swap3A_144], %swap3A_147 {strides = array<i32>} : memref<16x64x2048xf32, #tpu.memory_space<vmem>>, vector<1x16x2048xf32>,
    %slice3A_148 = vector.extract_strided_slice %select_n3A_140 {offsets = [14, 0], sizes = [16, 2048], strides = [1, 1]} : vector<32x2048xf32> to vector<16x2048xf32>
    %swap3A_149 = arith.constant 1 : index
    %swap3A_150 = arith.constant 16 : index
    %swap3A_151 = arith.constant 0 : index
    %swap3A_152 = vector.load %arg2[%swap3A_149, %swap3A_150, %swap3A_151] : memref<16x64x2048xf32, #tpu.memory_space<vmem>>, vector<1x16x2048xf32>
    %swap3A_153 = vector.shape_cast %swap3A_152 : vector<1x16x2048xf32> to vector<16x2048xf32>
    %swap3A_154 = vector.shape_cast %slice3A_148 : vector<16x2048xf32> to vector<1x16x2048xf32>
    tpu.vector_store %arg2[%swap3A_149, %swap3A_150, %swap3A_151], %swap3A_154 {strides = array<i32>} : memref<16x64x2048xf32, #tpu.memory_space<vmem>>, vector<1x16x2048xf32>,
    %slice3A_155 = vector.extract_strided_slice %select_n3A_140 {offsets = [13, 0], sizes = [16, 2048], strides = [1, 1]} : vector<32x2048xf32> to vector<16x2048xf32>
    %swap3A_156 = arith.constant 2 : index
    %swap3A_157 = arith.constant 16 : index
    %swap3A_158 = arith.constant 0 : index
    %swap3A_159 = vector.load %arg2[%swap3A_156, %swap3A_157, %swap3A_158] : memref<16x64x2048xf32, #tpu.memory_space<vmem>>, vector<1x16x2048xf32>
    %swap3A_160 = vector.shape_cast %swap3A_159 : vector<1x16x2048xf32> to vector<16x2048xf32>
    %swap3A_161 = vector.shape_cast %slice3A_155 : vector<16x2048xf32> to vector<1x16x2048xf32>
    tpu.vector_store %arg2[%swap3A_156, %swap3A_157, %swap3A_158], %swap3A_161 {strides = array<i32>} : memref<16x64x2048xf32, #tpu.memory_space<vmem>>, vector<1x16x2048xf32>,
    %slice3A_162 = vector.extract_strided_slice %select_n3A_140 {offsets = [12, 0], sizes = [16, 2048], strides = [1, 1]} : vector<32x2048xf32> to vector<16x2048xf32>
    %swap3A_163 = arith.constant 3 : index
    %swap3A_164 = arith.constant 16 : index
    %swap3A_165 = arith.constant 0 : index
    %swap3A_166 = vector.load %arg2[%swap3A_163, %swap3A_164, %swap3A_165] : memref<16x64x2048xf32, #tpu.memory_space<vmem>>, vector<1x16x2048xf32>
    %swap3A_167 = vector.shape_cast %swap3A_166 : vector<1x16x2048xf32> to vector<16x2048xf32>
    %swap3A_168 = vector.shape_cast %slice3A_162 : vector<16x2048xf32> to vector<1x16x2048xf32>
    tpu.vector_store %arg2[%swap3A_163, %swap3A_164, %swap3A_165], %swap3A_168 {strides = array<i32>} : memref<16x64x2048xf32, #tpu.memory_space<vmem>>, vector<1x16x2048xf32>,
    %slice3A_169 = vector.extract_strided_slice %select_n3A_140 {offsets = [11, 0], sizes = [16, 2048], strides = [1, 1]} : vector<32x2048xf32> to vector<16x2048xf32>
    %swap3A_170 = arith.constant 4 : index
    %swap3A_171 = arith.constant 16 : index
    %swap3A_172 = arith.constant 0 : index
    %swap3A_173 = vector.load %arg2[%swap3A_170, %swap3A_171, %swap3A_172] : memref<16x64x2048xf32, #tpu.memory_space<vmem>>, vector<1x16x2048xf32>
    %swap3A_174 = vector.shape_cast %swap3A_173 : vector<1x16x2048xf32> to vector<16x2048xf32>
    %swap3A_175 = vector.shape_cast %slice3A_169 : vector<16x2048xf32> to vector<1x16x2048xf32>
    tpu.vector_store %arg2[%swap3A_170, %swap3A_171, %swap3A_172], %swap3A_175 {strides = array<i32>} : memref<16x64x2048xf32, #tpu.memory_space<vmem>>, vector<1x16x2048xf32>,
    %slice3A_176 = vector.extract_strided_slice %select_n3A_140 {offsets = [10, 0], sizes = [16, 2048], strides = [1, 1]} : vector<32x2048xf32> to vector<16x2048xf32>
    %swap3A_177 = arith.constant 5 : index
    %swap3A_178 = arith.constant 16 : index
    %swap3A_179 = arith.constant 0 : index
    %swap3A_180 = vector.load %arg2[%swap3A_177, %swap3A_178, %swap3A_179] : memref<16x64x2048xf32, #tpu.memory_space<vmem>>, vector<1x16x2048xf32>
    %swap3A_181 = vector.shape_cast %swap3A_180 : vector<1x16x2048xf32> to vector<16x2048xf32>
    %swap3A_182 = vector.shape_cast %slice3A_176 : vector<16x2048xf32> to vector<1x16x2048xf32>
    tpu.vector_store %arg2[%swap3A_177, %swap3A_178, %swap3A_179], %swap3A_182 {strides = array<i32>} : memref<16x64x2048xf32, #tpu.memory_space<vmem>>, vector<1x16x2048xf32>,
    %slice3A_183 = vector.extract_strided_slice %select_n3A_140 {offsets = [9, 0], sizes = [16, 2048], strides = [1, 1]} : vector<32x2048xf32> to vector<16x2048xf32>
    %swap3A_184 = arith.constant 6 : index
    %swap3A_185 = arith.constant 16 : index
    %swap3A_186 = arith.constant 0 : index
    %swap3A_187 = vector.load %arg2[%swap3A_184, %swap3A_185, %swap3A_186] : memref<16x64x2048xf32, #tpu.memory_space<vmem>>, vector<1x16x2048xf32>
    %swap3A_188 = vector.shape_cast %swap3A_187 : vector<1x16x2048xf32> to vector<16x2048xf32>
    %swap3A_189 = vector.shape_cast %slice3A_183 : vector<16x2048xf32> to vector<1x16x2048xf32>
    tpu.vector_store %arg2[%swap3A_184, %swap3A_185, %swap3A_186], %swap3A_189 {strides = array<i32>} : memref<16x64x2048xf32, #tpu.memory_space<vmem>>, vector<1x16x2048xf32>,
    %slice3A_190 = vector.extract_strided_slice %select_n3A_140 {offsets = [8, 0], sizes = [16, 2048], strides = [1, 1]} : vector<32x2048xf32> to vector<16x2048xf32>
    %swap3A_191 = arith.constant 7 : index
    %swap3A_192 = arith.constant 16 : index
    %swap3A_193 = arith.constant 0 : index
    %swap3A_194 = vector.load %arg2[%swap3A_191, %swap3A_192, %swap3A_193] : memref<16x64x2048xf32, #tpu.memory_space<vmem>>, vector<1x16x2048xf32>
    %swap3A_195 = vector.shape_cast %swap3A_194 : vector<1x16x2048xf32> to vector<16x2048xf32>
    %swap3A_196 = vector.shape_cast %slice3A_190 : vector<16x2048xf32> to vector<1x16x2048xf32>
    tpu.vector_store %arg2[%swap3A_191, %swap3A_192, %swap3A_193], %swap3A_196 {strides = array<i32>} : memref<16x64x2048xf32, #tpu.memory_space<vmem>>, vector<1x16x2048xf32>,
    %slice3A_197 = vector.extract_strided_slice %select_n3A_140 {offsets = [7, 0], sizes = [16, 2048], strides = [1, 1]} : vector<32x2048xf32> to vector<16x2048xf32>
    %swap3A_198 = arith.constant 8 : index
    %swap3A_199 = arith.constant 16 : index
    %swap3A_200 = arith.constant 0 : index
    %swap3A_201 = vector.load %arg2[%swap3A_198, %swap3A_199, %swap3A_200] : memref<16x64x2048xf32, #tpu.memory_space<vmem>>, vector<1x16x2048xf32>
    %swap3A_202 = vector.shape_cast %swap3A_201 : vector<1x16x2048xf32> to vector<16x2048xf32>
    %swap3A_203 = vector.shape_cast %slice3A_197 : vector<16x2048xf32> to vector<1x16x2048xf32>
    tpu.vector_store %arg2[%swap3A_198, %swap3A_199, %swap3A_200], %swap3A_203 {strides = array<i32>} : memref<16x64x2048xf32, #tpu.memory_space<vmem>>, vector<1x16x2048xf32>,
    %slice3A_204 = vector.extract_strided_slice %select_n3A_140 {offsets = [6, 0], sizes = [16, 2048], strides = [1, 1]} : vector<32x2048xf32> to vector<16x2048xf32>
    %swap3A_205 = arith.constant 9 : index
    %swap3A_206 = arith.constant 16 : index
    %swap3A_207 = arith.constant 0 : index
    %swap3A_208 = vector.load %arg2[%swap3A_205, %swap3A_206, %swap3A_207] : memref<16x64x2048xf32, #tpu.memory_space<vmem>>, vector<1x16x2048xf32>
    %swap3A_209 = vector.shape_cast %swap3A_208 : vector<1x16x2048xf32> to vector<16x2048xf32>
    %swap3A_210 = vector.shape_cast %slice3A_204 : vector<16x2048xf32> to vector<1x16x2048xf32>
    tpu.vector_store %arg2[%swap3A_205, %swap3A_206, %swap3A_207], %swap3A_210 {strides = array<i32>} : memref<16x64x2048xf32, #tpu.memory_space<vmem>>, vector<1x16x2048xf32>,
    %slice3A_211 = vector.extract_strided_slice %select_n3A_140 {offsets = [5, 0], sizes = [16, 2048], strides = [1, 1]} : vector<32x2048xf32> to vector<16x2048xf32>
    %swap3A_212 = arith.constant 10 : index
    %swap3A_213 = arith.constant 16 : index
    %swap3A_214 = arith.constant 0 : index
    %swap3A_215 = vector.load %arg2[%swap3A_212, %swap3A_213, %swap3A_214] : memref<16x64x2048xf32, #tpu.memory_space<vmem>>, vector<1x16x2048xf32>
    %swap3A_216 = vector.shape_cast %swap3A_215 : vector<1x16x2048xf32> to vector<16x2048xf32>
    %swap3A_217 = vector.shape_cast %slice3A_211 : vector<16x2048xf32> to vector<1x16x2048xf32>
    tpu.vector_store %arg2[%swap3A_212, %swap3A_213, %swap3A_214], %swap3A_217 {strides = array<i32>} : memref<16x64x2048xf32, #tpu.memory_space<vmem>>, vector<1x16x2048xf32>,
    %slice3A_218 = vector.extract_strided_slice %select_n3A_140 {offsets = [4, 0], sizes = [16, 2048], strides = [1, 1]} : vector<32x2048xf32> to vector<16x2048xf32>
    %swap3A_219 = arith.constant 11 : index
    %swap3A_220 = arith.constant 16 : index
    %swap3A_221 = arith.constant 0 : index
    %swap3A_222 = vector.load %arg2[%swap3A_219, %swap3A_220, %swap3A_221] : memref<16x64x2048xf32, #tpu.memory_space<vmem>>, vector<1x16x2048xf32>
    %swap3A_223 = vector.shape_cast %swap3A_222 : vector<1x16x2048xf32> to vector<16x2048xf32>
    %swap3A_224 = vector.shape_cast %slice3A_218 : vector<16x2048xf32> to vector<1x16x2048xf32>
    tpu.vector_store %arg2[%swap3A_219, %swap3A_220, %swap3A_221], %swap3A_224 {strides = array<i32>} : memref<16x64x2048xf32, #tpu.memory_space<vmem>>, vector<1x16x2048xf32>,
    %slice3A_225 = vector.extract_strided_slice %select_n3A_140 {offsets = [3, 0], sizes = [16, 2048], strides = [1, 1]} : vector<32x2048xf32> to vector<16x2048xf32>
    %swap3A_226 = arith.constant 12 : index
    %swap3A_227 = arith.constant 16 : index
    %swap3A_228 = arith.constant 0 : index
    %swap3A_229 = vector.load %arg2[%swap3A_226, %swap3A_227, %swap3A_228] : memref<16x64x2048xf32, #tpu.memory_space<vmem>>, vector<1x16x2048xf32>
    %swap3A_230 = vector.shape_cast %swap3A_229 : vector<1x16x2048xf32> to vector<16x2048xf32>
    %swap3A_231 = vector.shape_cast %slice3A_225 : vector<16x2048xf32> to vector<1x16x2048xf32>
    tpu.vector_store %arg2[%swap3A_226, %swap3A_227, %swap3A_228], %swap3A_231 {strides = array<i32>} : memref<16x64x2048xf32, #tpu.memory_space<vmem>>, vector<1x16x2048xf32>,
    %slice3A_232 = vector.extract_strided_slice %select_n3A_140 {offsets = [2, 0], sizes = [16, 2048], strides = [1, 1]} : vector<32x2048xf32> to vector<16x2048xf32>
    %swap3A_233 = arith.constant 13 : index
    %swap3A_234 = arith.constant 16 : index
    %swap3A_235 = arith.constant 0 : index
    %swap3A_236 = vector.load %arg2[%swap3A_233, %swap3A_234, %swap3A_235] : memref<16x64x2048xf32, #tpu.memory_space<vmem>>, vector<1x16x2048xf32>
    %swap3A_237 = vector.shape_cast %swap3A_236 : vector<1x16x2048xf32> to vector<16x2048xf32>
    %swap3A_238 = vector.shape_cast %slice3A_232 : vector<16x2048xf32> to vector<1x16x2048xf32>
    tpu.vector_store %arg2[%swap3A_233, %swap3A_234, %swap3A_235], %swap3A_238 {strides = array<i32>} : memref<16x64x2048xf32, #tpu.memory_space<vmem>>, vector<1x16x2048xf32>,
    %slice3A_239 = vector.extract_strided_slice %select_n3A_140 {offsets = [1, 0], sizes = [16, 2048], strides = [1, 1]} : vector<32x2048xf32> to vector<16x2048xf32>
    %swap3A_240 = arith.constant 14 : index
    %swap3A_241 = arith.constant 16 : index
    %swap3A_242 = arith.constant 0 : index
    %swap3A_243 = vector.load %arg2[%swap3A_240, %swap3A_241, %swap3A_242] : memref<16x64x2048xf32, #tpu.memory_space<vmem>>, vector<1x16x2048xf32>
    %swap3A_244 = vector.shape_cast %swap3A_243 : vector<1x16x2048xf32> to vector<16x2048xf32>
    %swap3A_245 = vector.shape_cast %slice3A_239 : vector<16x2048xf32> to vector<1x16x2048xf32>
    tpu.vector_store %arg2[%swap3A_240, %swap3A_241, %swap3A_242], %swap3A_245 {strides = array<i32>} : memref<16x64x2048xf32, #tpu.memory_space<vmem>>, vector<1x16x2048xf32>,
    %slice3A_246 = vector.extract_strided_slice %select_n3A_140 {offsets = [0, 0], sizes = [16, 2048], strides = [1, 1]} : vector<32x2048xf32> to vector<16x2048xf32>
    %swap3A_247 = arith.constant 15 : index
    %swap3A_248 = arith.constant 16 : index
    %swap3A_249 = arith.constant 0 : index
    %swap3A_250 = vector.load %arg2[%swap3A_247, %swap3A_248, %swap3A_249] : memref<16x64x2048xf32, #tpu.memory_space<vmem>>, vector<1x16x2048xf32>
    %swap3A_251 = vector.shape_cast %swap3A_250 : vector<1x16x2048xf32> to vector<16x2048xf32>
    %swap3A_252 = vector.shape_cast %slice3A_246 : vector<16x2048xf32> to vector<1x16x2048xf32>
    tpu.vector_store %arg2[%swap3A_247, %swap3A_248, %swap3A_249], %swap3A_252 {strides = array<i32>} : memref<16x64x2048xf32, #tpu.memory_space<vmem>>, vector<1x16x2048xf32>,
    %mul3A_253 = arith.constant 4 : i32
    %mul3A_254 = arith.muli %mul3A_253, %arg0 : i32
    %add3A_255 = arith.constant 2 : i32
    %add3A_256 = arith.addi %mul3A_254, %add3A_255 : i32
    %mul3A_257 = arith.constant 16 : i32
    %mul3A_258 = arith.muli %mul3A_257, %add3A_256 : i32
    %add3A_259 = arith.constant 16 : i32
    %add3A_260 = arith.addi %mul3A_258, %add3A_259 : i32
    %and3A_261 = arith.constant 2047 : i32
    %and3A_262 = arith.andi %add3A_260, %and3A_261 : i32
    %get3A_263 = arith.constant 0 : index
    %get3A_264 = arith.constant 0 : index
    %get3A_265 = vector.load %arg1[%get3A_263, %get3A_264] : memref<40x2048xf32, #tpu.memory_space<vmem>>, vector<40x2048xf32>
    %roll3A_266 = tpu.dynamic_rotate %get3A_265 by %and3A_262 dim 1 : vector<40x2048xf32>, i32 -> vector<40x2048xf32>
    %lt3A_267 = vector.broadcast %add3A_260 : i32 to vector<32x2048xi32>
    %lt3A_268 = arith.cmpi slt, %iota3A, %lt3A_267 : vector<32x2048xi32>
    %slice3A_269 = vector.extract_strided_slice %roll3A_266 {offsets = [0, 0], sizes = [32, 2048], strides = [1, 1]} : vector<40x2048xf32> to vector<32x2048xf32>
    %slice3A_270 = vector.extract_strided_slice %roll3A_266 {offsets = [1, 0], sizes = [32, 2048], strides = [1, 1]} : vector<40x2048xf32> to vector<32x2048xf32>
    %select_n3A_271 = arith.select %lt3A_268, %slice3A_269, %slice3A_270 : vector<32x2048xi1>, vector<32x2048xf32>
    %slice3A_272 = vector.extract_strided_slice %select_n3A_271 {offsets = [15, 0], sizes = [16, 2048], strides = [1, 1]} : vector<32x2048xf32> to vector<16x2048xf32>
    %swap3A_273 = arith.constant 0 : index
    %swap3A_274 = arith.constant 32 : index
    %swap3A_275 = arith.constant 0 : index
    %swap3A_276 = vector.load %arg2[%swap3A_273, %swap3A_274, %swap3A_275] : memref<16x64x2048xf32, #tpu.memory_space<vmem>>, vector<1x16x2048xf32>
    %swap3A_277 = vector.shape_cast %swap3A_276 : vector<1x16x2048xf32> to vector<16x2048xf32>
    %swap3A_278 = vector.shape_cast %slice3A_272 : vector<16x2048xf32> to vector<1x16x2048xf32>
    tpu.vector_store %arg2[%swap3A_273, %swap3A_274, %swap3A_275], %swap3A_278 {strides = array<i32>} : memref<16x64x2048xf32, #tpu.memory_space<vmem>>, vector<1x16x2048xf32>,
    %slice3A_279 = vector.extract_strided_slice %select_n3A_271 {offsets = [14, 0], sizes = [16, 2048], strides = [1, 1]} : vector<32x2048xf32> to vector<16x2048xf32>
    %swap3A_280 = arith.constant 1 : index
    %swap3A_281 = arith.constant 32 : index
    %swap3A_282 = arith.constant 0 : index
    %swap3A_283 = vector.load %arg2[%swap3A_280, %swap3A_281, %swap3A_282] : memref<16x64x2048xf32, #tpu.memory_space<vmem>>, vector<1x16x2048xf32>
    %swap3A_284 = vector.shape_cast %swap3A_283 : vector<1x16x2048xf32> to vector<16x2048xf32>
    %swap3A_285 = vector.shape_cast %slice3A_279 : vector<16x2048xf32> to vector<1x16x2048xf32>
    tpu.vector_store %arg2[%swap3A_280, %swap3A_281, %swap3A_282], %swap3A_285 {strides = array<i32>} : memref<16x64x2048xf32, #tpu.memory_space<vmem>>, vector<1x16x2048xf32>,
    %slice3A_286 = vector.extract_strided_slice %select_n3A_271 {offsets = [13, 0], sizes = [16, 2048], strides = [1, 1]} : vector<32x2048xf32> to vector<16x2048xf32>
    %swap3A_287 = arith.constant 2 : index
    %swap3A_288 = arith.constant 32 : index
    %swap3A_289 = arith.constant 0 : index
    %swap3A_290 = vector.load %arg2[%swap3A_287, %swap3A_288, %swap3A_289] : memref<16x64x2048xf32, #tpu.memory_space<vmem>>, vector<1x16x2048xf32>
    %swap3A_291 = vector.shape_cast %swap3A_290 : vector<1x16x2048xf32> to vector<16x2048xf32>
    %swap3A_292 = vector.shape_cast %slice3A_286 : vector<16x2048xf32> to vector<1x16x2048xf32>
    tpu.vector_store %arg2[%swap3A_287, %swap3A_288, %swap3A_289], %swap3A_292 {strides = array<i32>} : memref<16x64x2048xf32, #tpu.memory_space<vmem>>, vector<1x16x2048xf32>,
    %slice3A_293 = vector.extract_strided_slice %select_n3A_271 {offsets = [12, 0], sizes = [16, 2048], strides = [1, 1]} : vector<32x2048xf32> to vector<16x2048xf32>
    %swap3A_294 = arith.constant 3 : index
    %swap3A_295 = arith.constant 32 : index
    %swap3A_296 = arith.constant 0 : index
    %swap3A_297 = vector.load %arg2[%swap3A_294, %swap3A_295, %swap3A_296] : memref<16x64x2048xf32, #tpu.memory_space<vmem>>, vector<1x16x2048xf32>
    %swap3A_298 = vector.shape_cast %swap3A_297 : vector<1x16x2048xf32> to vector<16x2048xf32>
    %swap3A_299 = vector.shape_cast %slice3A_293 : vector<16x2048xf32> to vector<1x16x2048xf32>
    tpu.vector_store %arg2[%swap3A_294, %swap3A_295, %swap3A_296], %swap3A_299 {strides = array<i32>} : memref<16x64x2048xf32, #tpu.memory_space<vmem>>, vector<1x16x2048xf32>,
    %slice3A_300 = vector.extract_strided_slice %select_n3A_271 {offsets = [11, 0], sizes = [16, 2048], strides = [1, 1]} : vector<32x2048xf32> to vector<16x2048xf32>
    %swap3A_301 = arith.constant 4 : index
    %swap3A_302 = arith.constant 32 : index
    %swap3A_303 = arith.constant 0 : index
    %swap3A_304 = vector.load %arg2[%swap3A_301, %swap3A_302, %swap3A_303] : memref<16x64x2048xf32, #tpu.memory_space<vmem>>, vector<1x16x2048xf32>
    %swap3A_305 = vector.shape_cast %swap3A_304 : vector<1x16x2048xf32> to vector<16x2048xf32>
    %swap3A_306 = vector.shape_cast %slice3A_300 : vector<16x2048xf32> to vector<1x16x2048xf32>
    tpu.vector_store %arg2[%swap3A_301, %swap3A_302, %swap3A_303], %swap3A_306 {strides = array<i32>} : memref<16x64x2048xf32, #tpu.memory_space<vmem>>, vector<1x16x2048xf32>,
    %slice3A_307 = vector.extract_strided_slice %select_n3A_271 {offsets = [10, 0], sizes = [16, 2048], strides = [1, 1]} : vector<32x2048xf32> to vector<16x2048xf32>
    %swap3A_308 = arith.constant 5 : index
    %swap3A_309 = arith.constant 32 : index
    %swap3A_310 = arith.constant 0 : index
    %swap3A_311 = vector.load %arg2[%swap3A_308, %swap3A_309, %swap3A_310] : memref<16x64x2048xf32, #tpu.memory_space<vmem>>, vector<1x16x2048xf32>
    %swap3A_312 = vector.shape_cast %swap3A_311 : vector<1x16x2048xf32> to vector<16x2048xf32>
    %swap3A_313 = vector.shape_cast %slice3A_307 : vector<16x2048xf32> to vector<1x16x2048xf32>
    tpu.vector_store %arg2[%swap3A_308, %swap3A_309, %swap3A_310], %swap3A_313 {strides = array<i32>} : memref<16x64x2048xf32, #tpu.memory_space<vmem>>, vector<1x16x2048xf32>,
    %slice3A_314 = vector.extract_strided_slice %select_n3A_271 {offsets = [9, 0], sizes = [16, 2048], strides = [1, 1]} : vector<32x2048xf32> to vector<16x2048xf32>
    %swap3A_315 = arith.constant 6 : index
    %swap3A_316 = arith.constant 32 : index
    %swap3A_317 = arith.constant 0 : index
    %swap3A_318 = vector.load %arg2[%swap3A_315, %swap3A_316, %swap3A_317] : memref<16x64x2048xf32, #tpu.memory_space<vmem>>, vector<1x16x2048xf32>
    %swap3A_319 = vector.shape_cast %swap3A_318 : vector<1x16x2048xf32> to vector<16x2048xf32>
    %swap3A_320 = vector.shape_cast %slice3A_314 : vector<16x2048xf32> to vector<1x16x2048xf32>
    tpu.vector_store %arg2[%swap3A_315, %swap3A_316, %swap3A_317], %swap3A_320 {strides = array<i32>} : memref<16x64x2048xf32, #tpu.memory_space<vmem>>, vector<1x16x2048xf32>,
    %slice3A_321 = vector.extract_strided_slice %select_n3A_271 {offsets = [8, 0], sizes = [16, 2048], strides = [1, 1]} : vector<32x2048xf32> to vector<16x2048xf32>
    %swap3A_322 = arith.constant 7 : index
    %swap3A_323 = arith.constant 32 : index
    %swap3A_324 = arith.constant 0 : index
    %swap3A_325 = vector.load %arg2[%swap3A_322, %swap3A_323, %swap3A_324] : memref<16x64x2048xf32, #tpu.memory_space<vmem>>, vector<1x16x2048xf32>
    %swap3A_326 = vector.shape_cast %swap3A_325 : vector<1x16x2048xf32> to vector<16x2048xf32>
    %swap3A_327 = vector.shape_cast %slice3A_321 : vector<16x2048xf32> to vector<1x16x2048xf32>
    tpu.vector_store %arg2[%swap3A_322, %swap3A_323, %swap3A_324], %swap3A_327 {strides = array<i32>} : memref<16x64x2048xf32, #tpu.memory_space<vmem>>, vector<1x16x2048xf32>,
    %slice3A_328 = vector.extract_strided_slice %select_n3A_271 {offsets = [7, 0], sizes = [16, 2048], strides = [1, 1]} : vector<32x2048xf32> to vector<16x2048xf32>
    %swap3A_329 = arith.constant 8 : index
    %swap3A_330 = arith.constant 32 : index
    %swap3A_331 = arith.constant 0 : index
    %swap3A_332 = vector.load %arg2[%swap3A_329, %swap3A_330, %swap3A_331] : memref<16x64x2048xf32, #tpu.memory_space<vmem>>, vector<1x16x2048xf32>
    %swap3A_333 = vector.shape_cast %swap3A_332 : vector<1x16x2048xf32> to vector<16x2048xf32>
    %swap3A_334 = vector.shape_cast %slice3A_328 : vector<16x2048xf32> to vector<1x16x2048xf32>
    tpu.vector_store %arg2[%swap3A_329, %swap3A_330, %swap3A_331], %swap3A_334 {strides = array<i32>} : memref<16x64x2048xf32, #tpu.memory_space<vmem>>, vector<1x16x2048xf32>,
    %slice3A_335 = vector.extract_strided_slice %select_n3A_271 {offsets = [6, 0], sizes = [16, 2048], strides = [1, 1]} : vector<32x2048xf32> to vector<16x2048xf32>
    %swap3A_336 = arith.constant 9 : index
    %swap3A_337 = arith.constant 32 : index
    %swap3A_338 = arith.constant 0 : index
    %swap3A_339 = vector.load %arg2[%swap3A_336, %swap3A_337, %swap3A_338] : memref<16x64x2048xf32, #tpu.memory_space<vmem>>, vector<1x16x2048xf32>
    %swap3A_340 = vector.shape_cast %swap3A_339 : vector<1x16x2048xf32> to vector<16x2048xf32>
    %swap3A_341 = vector.shape_cast %slice3A_335 : vector<16x2048xf32> to vector<1x16x2048xf32>
    tpu.vector_store %arg2[%swap3A_336, %swap3A_337, %swap3A_338], %swap3A_341 {strides = array<i32>} : memref<16x64x2048xf32, #tpu.memory_space<vmem>>, vector<1x16x2048xf32>,
    %slice3A_342 = vector.extract_strided_slice %select_n3A_271 {offsets = [5, 0], sizes = [16, 2048], strides = [1, 1]} : vector<32x2048xf32> to vector<16x2048xf32>
    %swap3A_343 = arith.constant 10 : index
    %swap3A_344 = arith.constant 32 : index
    %swap3A_345 = arith.constant 0 : index
    %swap3A_346 = vector.load %arg2[%swap3A_343, %swap3A_344, %swap3A_345] : memref<16x64x2048xf32, #tpu.memory_space<vmem>>, vector<1x16x2048xf32>
    %swap3A_347 = vector.shape_cast %swap3A_346 : vector<1x16x2048xf32> to vector<16x2048xf32>
    %swap3A_348 = vector.shape_cast %slice3A_342 : vector<16x2048xf32> to vector<1x16x2048xf32>
    tpu.vector_store %arg2[%swap3A_343, %swap3A_344, %swap3A_345], %swap3A_348 {strides = array<i32>} : memref<16x64x2048xf32, #tpu.memory_space<vmem>>, vector<1x16x2048xf32>,
    %slice3A_349 = vector.extract_strided_slice %select_n3A_271 {offsets = [4, 0], sizes = [16, 2048], strides = [1, 1]} : vector<32x2048xf32> to vector<16x2048xf32>
    %swap3A_350 = arith.constant 11 : index
    %swap3A_351 = arith.constant 32 : index
    %swap3A_352 = arith.constant 0 : index
    %swap3A_353 = vector.load %arg2[%swap3A_350, %swap3A_351, %swap3A_352] : memref<16x64x2048xf32, #tpu.memory_space<vmem>>, vector<1x16x2048xf32>
    %swap3A_354 = vector.shape_cast %swap3A_353 : vector<1x16x2048xf32> to vector<16x2048xf32>
    %swap3A_355 = vector.shape_cast %slice3A_349 : vector<16x2048xf32> to vector<1x16x2048xf32>
    tpu.vector_store %arg2[%swap3A_350, %swap3A_351, %swap3A_352], %swap3A_355 {strides = array<i32>} : memref<16x64x2048xf32, #tpu.memory_space<vmem>>, vector<1x16x2048xf32>,
    %slice3A_356 = vector.extract_strided_slice %select_n3A_271 {offsets = [3, 0], sizes = [16, 2048], strides = [1, 1]} : vector<32x2048xf32> to vector<16x2048xf32>
    %swap3A_357 = arith.constant 12 : index
    %swap3A_358 = arith.constant 32 : index
    %swap3A_359 = arith.constant 0 : index
    %swap3A_360 = vector.load %arg2[%swap3A_357, %swap3A_358, %swap3A_359] : memref<16x64x2048xf32, #tpu.memory_space<vmem>>, vector<1x16x2048xf32>
    %swap3A_361 = vector.shape_cast %swap3A_360 : vector<1x16x2048xf32> to vector<16x2048xf32>
    %swap3A_362 = vector.shape_cast %slice3A_356 : vector<16x2048xf32> to vector<1x16x2048xf32>
    tpu.vector_store %arg2[%swap3A_357, %swap3A_358, %swap3A_359], %swap3A_362 {strides = array<i32>} : memref<16x64x2048xf32, #tpu.memory_space<vmem>>, vector<1x16x2048xf32>,
    %slice3A_363 = vector.extract_strided_slice %select_n3A_271 {offsets = [2, 0], sizes = [16, 2048], strides = [1, 1]} : vector<32x2048xf32> to vector<16x2048xf32>
    %swap3A_364 = arith.constant 13 : index
    %swap3A_365 = arith.constant 32 : index
    %swap3A_366 = arith.constant 0 : index
    %swap3A_367 = vector.load %arg2[%swap3A_364, %swap3A_365, %swap3A_366] : memref<16x64x2048xf32, #tpu.memory_space<vmem>>, vector<1x16x2048xf32>
    %swap3A_368 = vector.shape_cast %swap3A_367 : vector<1x16x2048xf32> to vector<16x2048xf32>
    %swap3A_369 = vector.shape_cast %slice3A_363 : vector<16x2048xf32> to vector<1x16x2048xf32>
    tpu.vector_store %arg2[%swap3A_364, %swap3A_365, %swap3A_366], %swap3A_369 {strides = array<i32>} : memref<16x64x2048xf32, #tpu.memory_space<vmem>>, vector<1x16x2048xf32>,
    %slice3A_370 = vector.extract_strided_slice %select_n3A_271 {offsets = [1, 0], sizes = [16, 2048], strides = [1, 1]} : vector<32x2048xf32> to vector<16x2048xf32>
    %swap3A_371 = arith.constant 14 : index
    %swap3A_372 = arith.constant 32 : index
    %swap3A_373 = arith.constant 0 : index
    %swap3A_374 = vector.load %arg2[%swap3A_371, %swap3A_372, %swap3A_373] : memref<16x64x2048xf32, #tpu.memory_space<vmem>>, vector<1x16x2048xf32>
    %swap3A_375 = vector.shape_cast %swap3A_374 : vector<1x16x2048xf32> to vector<16x2048xf32>
    %swap3A_376 = vector.shape_cast %slice3A_370 : vector<16x2048xf32> to vector<1x16x2048xf32>
    tpu.vector_store %arg2[%swap3A_371, %swap3A_372, %swap3A_373], %swap3A_376 {strides = array<i32>} : memref<16x64x2048xf32, #tpu.memory_space<vmem>>, vector<1x16x2048xf32>,
    %slice3A_377 = vector.extract_strided_slice %select_n3A_271 {offsets = [0, 0], sizes = [16, 2048], strides = [1, 1]} : vector<32x2048xf32> to vector<16x2048xf32>
    %swap3A_378 = arith.constant 15 : index
    %swap3A_379 = arith.constant 32 : index
    %swap3A_380 = arith.constant 0 : index
    %swap3A_381 = vector.load %arg2[%swap3A_378, %swap3A_379, %swap3A_380] : memref<16x64x2048xf32, #tpu.memory_space<vmem>>, vector<1x16x2048xf32>
    %swap3A_382 = vector.shape_cast %swap3A_381 : vector<1x16x2048xf32> to vector<16x2048xf32>
    %swap3A_383 = vector.shape_cast %slice3A_377 : vector<16x2048xf32> to vector<1x16x2048xf32>
    tpu.vector_store %arg2[%swap3A_378, %swap3A_379, %swap3A_380], %swap3A_383 {strides = array<i32>} : memref<16x64x2048xf32, #tpu.memory_space<vmem>>, vector<1x16x2048xf32>,
    %mul3A_384 = arith.constant 4 : i32
    %mul3A_385 = arith.muli %mul3A_384, %arg0 : i32
    %add3A_386 = arith.constant 3 : i32
    %add3A_387 = arith.addi %mul3A_385, %add3A_386 : i32
    %mul3A_388 = arith.constant 16 : i32
    %mul3A_389 = arith.muli %mul3A_388, %add3A_387 : i32
    %add3A_390 = arith.constant 16 : i32
    %add3A_391 = arith.addi %mul3A_389, %add3A_390 : i32
    %and3A_392 = arith.constant 2047 : i32
    %and3A_393 = arith.andi %add3A_391, %and3A_392 : i32
    %get3A_394 = arith.constant 0 : index
    %get3A_395 = arith.constant 0 : index
    %get3A_396 = vector.load %arg1[%get3A_394, %get3A_395] : memref<40x2048xf32, #tpu.memory_space<vmem>>, vector<40x2048xf32>
    %roll3A_397 = tpu.dynamic_rotate %get3A_396 by %and3A_393 dim 1 : vector<40x2048xf32>, i32 -> vector<40x2048xf32>
    %lt3A_398 = vector.broadcast %add3A_391 : i32 to vector<32x2048xi32>
    %lt3A_399 = arith.cmpi slt, %iota3A, %lt3A_398 : vector<32x2048xi32>
    %slice3A_400 = vector.extract_strided_slice %roll3A_397 {offsets = [0, 0], sizes = [32, 2048], strides = [1, 1]} : vector<40x2048xf32> to vector<32x2048xf32>
    %slice3A_401 = vector.extract_strided_slice %roll3A_397 {offsets = [1, 0], sizes = [32, 2048], strides = [1, 1]} : vector<40x2048xf32> to vector<32x2048xf32>
    %select_n3A_402 = arith.select %lt3A_399, %slice3A_400, %slice3A_401 : vector<32x2048xi1>, vector<32x2048xf32>
    %slice3A_403 = vector.extract_strided_slice %select_n3A_402 {offsets = [15, 0], sizes = [16, 2048], strides = [1, 1]} : vector<32x2048xf32> to vector<16x2048xf32>
    %swap3A_404 = arith.constant 0 : index
    %swap3A_405 = arith.constant 48 : index
    %swap3A_406 = arith.constant 0 : index
    %swap3A_407 = vector.load %arg2[%swap3A_404, %swap3A_405, %swap3A_406] : memref<16x64x2048xf32, #tpu.memory_space<vmem>>, vector<1x16x2048xf32>
    %swap3A_408 = vector.shape_cast %swap3A_407 : vector<1x16x2048xf32> to vector<16x2048xf32>
    %swap3A_409 = vector.shape_cast %slice3A_403 : vector<16x2048xf32> to vector<1x16x2048xf32>
    tpu.vector_store %arg2[%swap3A_404, %swap3A_405, %swap3A_406], %swap3A_409 {strides = array<i32>} : memref<16x64x2048xf32, #tpu.memory_space<vmem>>, vector<1x16x2048xf32>,
    %slice3A_410 = vector.extract_strided_slice %select_n3A_402 {offsets = [14, 0], sizes = [16, 2048], strides = [1, 1]} : vector<32x2048xf32> to vector<16x2048xf32>
    %swap3A_411 = arith.constant 1 : index
    %swap3A_412 = arith.constant 48 : index
    %swap3A_413 = arith.constant 0 : index
    %swap3A_414 = vector.load %arg2[%swap3A_411, %swap3A_412, %swap3A_413] : memref<16x64x2048xf32, #tpu.memory_space<vmem>>, vector<1x16x2048xf32>
    %swap3A_415 = vector.shape_cast %swap3A_414 : vector<1x16x2048xf32> to vector<16x2048xf32>
    %swap3A_416 = vector.shape_cast %slice3A_410 : vector<16x2048xf32> to vector<1x16x2048xf32>
    tpu.vector_store %arg2[%swap3A_411, %swap3A_412, %swap3A_413], %swap3A_416 {strides = array<i32>} : memref<16x64x2048xf32, #tpu.memory_space<vmem>>, vector<1x16x2048xf32>,
    %slice3A_417 = vector.extract_strided_slice %select_n3A_402 {offsets = [13, 0], sizes = [16, 2048], strides = [1, 1]} : vector<32x2048xf32> to vector<16x2048xf32>
    %swap3A_418 = arith.constant 2 : index
    %swap3A_419 = arith.constant 48 : index
    %swap3A_420 = arith.constant 0 : index
    %swap3A_421 = vector.load %arg2[%swap3A_418, %swap3A_419, %swap3A_420] : memref<16x64x2048xf32, #tpu.memory_space<vmem>>, vector<1x16x2048xf32>
    %swap3A_422 = vector.shape_cast %swap3A_421 : vector<1x16x2048xf32> to vector<16x2048xf32>
    %swap3A_423 = vector.shape_cast %slice3A_417 : vector<16x2048xf32> to vector<1x16x2048xf32>
    tpu.vector_store %arg2[%swap3A_418, %swap3A_419, %swap3A_420], %swap3A_423 {strides = array<i32>} : memref<16x64x2048xf32, #tpu.memory_space<vmem>>, vector<1x16x2048xf32>,
    %slice3A_424 = vector.extract_strided_slice %select_n3A_402 {offsets = [12, 0], sizes = [16, 2048], strides = [1, 1]} : vector<32x2048xf32> to vector<16x2048xf32>
    %swap3A_425 = arith.constant 3 : index
    %swap3A_426 = arith.constant 48 : index
    %swap3A_427 = arith.constant 0 : index
    %swap3A_428 = vector.load %arg2[%swap3A_425, %swap3A_426, %swap3A_427] : memref<16x64x2048xf32, #tpu.memory_space<vmem>>, vector<1x16x2048xf32>
    %swap3A_429 = vector.shape_cast %swap3A_428 : vector<1x16x2048xf32> to vector<16x2048xf32>
    %swap3A_430 = vector.shape_cast %slice3A_424 : vector<16x2048xf32> to vector<1x16x2048xf32>
    tpu.vector_store %arg2[%swap3A_425, %swap3A_426, %swap3A_427], %swap3A_430 {strides = array<i32>} : memref<16x64x2048xf32, #tpu.memory_space<vmem>>, vector<1x16x2048xf32>,
    %slice3A_431 = vector.extract_strided_slice %select_n3A_402 {offsets = [11, 0], sizes = [16, 2048], strides = [1, 1]} : vector<32x2048xf32> to vector<16x2048xf32>
    %swap3A_432 = arith.constant 4 : index
    %swap3A_433 = arith.constant 48 : index
    %swap3A_434 = arith.constant 0 : index
    %swap3A_435 = vector.load %arg2[%swap3A_432, %swap3A_433, %swap3A_434] : memref<16x64x2048xf32, #tpu.memory_space<vmem>>, vector<1x16x2048xf32>
    %swap3A_436 = vector.shape_cast %swap3A_435 : vector<1x16x2048xf32> to vector<16x2048xf32>
    %swap3A_437 = vector.shape_cast %slice3A_431 : vector<16x2048xf32> to vector<1x16x2048xf32>
    tpu.vector_store %arg2[%swap3A_432, %swap3A_433, %swap3A_434], %swap3A_437 {strides = array<i32>} : memref<16x64x2048xf32, #tpu.memory_space<vmem>>, vector<1x16x2048xf32>,
    %slice3A_438 = vector.extract_strided_slice %select_n3A_402 {offsets = [10, 0], sizes = [16, 2048], strides = [1, 1]} : vector<32x2048xf32> to vector<16x2048xf32>
    %swap3A_439 = arith.constant 5 : index
    %swap3A_440 = arith.constant 48 : index
    %swap3A_441 = arith.constant 0 : index
    %swap3A_442 = vector.load %arg2[%swap3A_439, %swap3A_440, %swap3A_441] : memref<16x64x2048xf32, #tpu.memory_space<vmem>>, vector<1x16x2048xf32>
    %swap3A_443 = vector.shape_cast %swap3A_442 : vector<1x16x2048xf32> to vector<16x2048xf32>
    %swap3A_444 = vector.shape_cast %slice3A_438 : vector<16x2048xf32> to vector<1x16x2048xf32>
    tpu.vector_store %arg2[%swap3A_439, %swap3A_440, %swap3A_441], %swap3A_444 {strides = array<i32>} : memref<16x64x2048xf32, #tpu.memory_space<vmem>>, vector<1x16x2048xf32>,
    %slice3A_445 = vector.extract_strided_slice %select_n3A_402 {offsets = [9, 0], sizes = [16, 2048], strides = [1, 1]} : vector<32x2048xf32> to vector<16x2048xf32>
    %swap3A_446 = arith.constant 6 : index
    %swap3A_447 = arith.constant 48 : index
    %swap3A_448 = arith.constant 0 : index
    %swap3A_449 = vector.load %arg2[%swap3A_446, %swap3A_447, %swap3A_448] : memref<16x64x2048xf32, #tpu.memory_space<vmem>>, vector<1x16x2048xf32>
    %swap3A_450 = vector.shape_cast %swap3A_449 : vector<1x16x2048xf32> to vector<16x2048xf32>
    %swap3A_451 = vector.shape_cast %slice3A_445 : vector<16x2048xf32> to vector<1x16x2048xf32>
    tpu.vector_store %arg2[%swap3A_446, %swap3A_447, %swap3A_448], %swap3A_451 {strides = array<i32>} : memref<16x64x2048xf32, #tpu.memory_space<vmem>>, vector<1x16x2048xf32>,
    %slice3A_452 = vector.extract_strided_slice %select_n3A_402 {offsets = [8, 0], sizes = [16, 2048], strides = [1, 1]} : vector<32x2048xf32> to vector<16x2048xf32>
    %swap3A_453 = arith.constant 7 : index
    %swap3A_454 = arith.constant 48 : index
    %swap3A_455 = arith.constant 0 : index
    %swap3A_456 = vector.load %arg2[%swap3A_453, %swap3A_454, %swap3A_455] : memref<16x64x2048xf32, #tpu.memory_space<vmem>>, vector<1x16x2048xf32>
    %swap3A_457 = vector.shape_cast %swap3A_456 : vector<1x16x2048xf32> to vector<16x2048xf32>
    %swap3A_458 = vector.shape_cast %slice3A_452 : vector<16x2048xf32> to vector<1x16x2048xf32>
    tpu.vector_store %arg2[%swap3A_453, %swap3A_454, %swap3A_455], %swap3A_458 {strides = array<i32>} : memref<16x64x2048xf32, #tpu.memory_space<vmem>>, vector<1x16x2048xf32>,
    %slice3A_459 = vector.extract_strided_slice %select_n3A_402 {offsets = [7, 0], sizes = [16, 2048], strides = [1, 1]} : vector<32x2048xf32> to vector<16x2048xf32>
    %swap3A_460 = arith.constant 8 : index
    %swap3A_461 = arith.constant 48 : index
    %swap3A_462 = arith.constant 0 : index
    %swap3A_463 = vector.load %arg2[%swap3A_460, %swap3A_461, %swap3A_462] : memref<16x64x2048xf32, #tpu.memory_space<vmem>>, vector<1x16x2048xf32>
    %swap3A_464 = vector.shape_cast %swap3A_463 : vector<1x16x2048xf32> to vector<16x2048xf32>
    %swap3A_465 = vector.shape_cast %slice3A_459 : vector<16x2048xf32> to vector<1x16x2048xf32>
    tpu.vector_store %arg2[%swap3A_460, %swap3A_461, %swap3A_462], %swap3A_465 {strides = array<i32>} : memref<16x64x2048xf32, #tpu.memory_space<vmem>>, vector<1x16x2048xf32>,
    %slice3A_466 = vector.extract_strided_slice %select_n3A_402 {offsets = [6, 0], sizes = [16, 2048], strides = [1, 1]} : vector<32x2048xf32> to vector<16x2048xf32>
    %swap3A_467 = arith.constant 9 : index
    %swap3A_468 = arith.constant 48 : index
    %swap3A_469 = arith.constant 0 : index
    %swap3A_470 = vector.load %arg2[%swap3A_467, %swap3A_468, %swap3A_469] : memref<16x64x2048xf32, #tpu.memory_space<vmem>>, vector<1x16x2048xf32>
    %swap3A_471 = vector.shape_cast %swap3A_470 : vector<1x16x2048xf32> to vector<16x2048xf32>
    %swap3A_472 = vector.shape_cast %slice3A_466 : vector<16x2048xf32> to vector<1x16x2048xf32>
    tpu.vector_store %arg2[%swap3A_467, %swap3A_468, %swap3A_469], %swap3A_472 {strides = array<i32>} : memref<16x64x2048xf32, #tpu.memory_space<vmem>>, vector<1x16x2048xf32>,
    %slice3A_473 = vector.extract_strided_slice %select_n3A_402 {offsets = [5, 0], sizes = [16, 2048], strides = [1, 1]} : vector<32x2048xf32> to vector<16x2048xf32>
    %swap3A_474 = arith.constant 10 : index
    %swap3A_475 = arith.constant 48 : index
    %swap3A_476 = arith.constant 0 : index
    %swap3A_477 = vector.load %arg2[%swap3A_474, %swap3A_475, %swap3A_476] : memref<16x64x2048xf32, #tpu.memory_space<vmem>>, vector<1x16x2048xf32>
    %swap3A_478 = vector.shape_cast %swap3A_477 : vector<1x16x2048xf32> to vector<16x2048xf32>
    %swap3A_479 = vector.shape_cast %slice3A_473 : vector<16x2048xf32> to vector<1x16x2048xf32>
    tpu.vector_store %arg2[%swap3A_474, %swap3A_475, %swap3A_476], %swap3A_479 {strides = array<i32>} : memref<16x64x2048xf32, #tpu.memory_space<vmem>>, vector<1x16x2048xf32>,
    %slice3A_480 = vector.extract_strided_slice %select_n3A_402 {offsets = [4, 0], sizes = [16, 2048], strides = [1, 1]} : vector<32x2048xf32> to vector<16x2048xf32>
    %swap3A_481 = arith.constant 11 : index
    %swap3A_482 = arith.constant 48 : index
    %swap3A_483 = arith.constant 0 : index
    %swap3A_484 = vector.load %arg2[%swap3A_481, %swap3A_482, %swap3A_483] : memref<16x64x2048xf32, #tpu.memory_space<vmem>>, vector<1x16x2048xf32>
    %swap3A_485 = vector.shape_cast %swap3A_484 : vector<1x16x2048xf32> to vector<16x2048xf32>
    %swap3A_486 = vector.shape_cast %slice3A_480 : vector<16x2048xf32> to vector<1x16x2048xf32>
    tpu.vector_store %arg2[%swap3A_481, %swap3A_482, %swap3A_483], %swap3A_486 {strides = array<i32>} : memref<16x64x2048xf32, #tpu.memory_space<vmem>>, vector<1x16x2048xf32>,
    %slice3A_487 = vector.extract_strided_slice %select_n3A_402 {offsets = [3, 0], sizes = [16, 2048], strides = [1, 1]} : vector<32x2048xf32> to vector<16x2048xf32>
    %swap3A_488 = arith.constant 12 : index
    %swap3A_489 = arith.constant 48 : index
    %swap3A_490 = arith.constant 0 : index
    %swap3A_491 = vector.load %arg2[%swap3A_488, %swap3A_489, %swap3A_490] : memref<16x64x2048xf32, #tpu.memory_space<vmem>>, vector<1x16x2048xf32>
    %swap3A_492 = vector.shape_cast %swap3A_491 : vector<1x16x2048xf32> to vector<16x2048xf32>
    %swap3A_493 = vector.shape_cast %slice3A_487 : vector<16x2048xf32> to vector<1x16x2048xf32>
    tpu.vector_store %arg2[%swap3A_488, %swap3A_489, %swap3A_490], %swap3A_493 {strides = array<i32>} : memref<16x64x2048xf32, #tpu.memory_space<vmem>>, vector<1x16x2048xf32>,
    %slice3A_494 = vector.extract_strided_slice %select_n3A_402 {offsets = [2, 0], sizes = [16, 2048], strides = [1, 1]} : vector<32x2048xf32> to vector<16x2048xf32>
    %swap3A_495 = arith.constant 13 : index
    %swap3A_496 = arith.constant 48 : index
    %swap3A_497 = arith.constant 0 : index
    %swap3A_498 = vector.load %arg2[%swap3A_495, %swap3A_496, %swap3A_497] : memref<16x64x2048xf32, #tpu.memory_space<vmem>>, vector<1x16x2048xf32>
    %swap3A_499 = vector.shape_cast %swap3A_498 : vector<1x16x2048xf32> to vector<16x2048xf32>
    %swap3A_500 = vector.shape_cast %slice3A_494 : vector<16x2048xf32> to vector<1x16x2048xf32>
    tpu.vector_store %arg2[%swap3A_495, %swap3A_496, %swap3A_497], %swap3A_500 {strides = array<i32>} : memref<16x64x2048xf32, #tpu.memory_space<vmem>>, vector<1x16x2048xf32>,
    %slice3A_501 = vector.extract_strided_slice %select_n3A_402 {offsets = [1, 0], sizes = [16, 2048], strides = [1, 1]} : vector<32x2048xf32> to vector<16x2048xf32>
    %swap3A_502 = arith.constant 14 : index
    %swap3A_503 = arith.constant 48 : index
    %swap3A_504 = arith.constant 0 : index
    %swap3A_505 = vector.load %arg2[%swap3A_502, %swap3A_503, %swap3A_504] : memref<16x64x2048xf32, #tpu.memory_space<vmem>>, vector<1x16x2048xf32>
    %swap3A_506 = vector.shape_cast %swap3A_505 : vector<1x16x2048xf32> to vector<16x2048xf32>
    %swap3A_507 = vector.shape_cast %slice3A_501 : vector<16x2048xf32> to vector<1x16x2048xf32>
    tpu.vector_store %arg2[%swap3A_502, %swap3A_503, %swap3A_504], %swap3A_507 {strides = array<i32>} : memref<16x64x2048xf32, #tpu.memory_space<vmem>>, vector<1x16x2048xf32>,
    %slice3A_508 = vector.extract_strided_slice %select_n3A_402 {offsets = [0, 0], sizes = [16, 2048], strides = [1, 1]} : vector<32x2048xf32> to vector<16x2048xf32>
    %swap3A_509 = arith.constant 15 : index
    %swap3A_510 = arith.constant 48 : index
    %swap3A_511 = arith.constant 0 : index
    %swap3A_512 = vector.load %arg2[%swap3A_509, %swap3A_510, %swap3A_511] : memref<16x64x2048xf32, #tpu.memory_space<vmem>>, vector<1x16x2048xf32>
    %swap3A_513 = vector.shape_cast %swap3A_512 : vector<1x16x2048xf32> to vector<16x2048xf32>
    %swap3A_514 = vector.shape_cast %slice3A_508 : vector<16x2048xf32> to vector<1x16x2048xf32>
    tpu.vector_store %arg2[%swap3A_509, %swap3A_510, %swap3A_511], %swap3A_514 {strides = array<i32>} : memref<16x64x2048xf32, #tpu.memory_space<vmem>>, vector<1x16x2048xf32>,
    return
  }
  func.func @transform_0(%arg0: i32) -> (i32, i32) {
    %c0_i32 = arith.constant 0 : i32
    %c0_i32_0 = arith.constant 0 : i32
    %c0_i32_1 = arith.constant 0 : i32
    return %c0_i32, %c0_i32_0 : i32, i32
  }
  func.func @transform_1(%arg0: i32) -> (i32, i32, i32) {
    %c0_i32 = arith.constant 0 : i32
    %c0_i32_0 = arith.constant 0 : i32
    %c0_i32_1 = arith.constant 0 : i32
    return %c0_i32, %arg0, %c0_i32_0 : i32, i32, i32
  }
}

</mosaic_0001>

<sc_bundles>
// kernel: kernel.5.cloned.1.call-start
scs
__scs_entry_jumppad:
0x0: {  	(pc) =	sbr.rel $0x88, $3  }
0x1: {  	(tag) =	ssettag $0x0;
	lr =	simm.s32 $0x1  }
0x2: {  	[smem:$0x3F9D] =	sst lr;
	_ =	strace $0xD0000000  }
0x3: {  	_ = 	snop  }
0x4: {  	_ = 	snop  }
0x5: {  	_ = 	snop  }
0x6: {  	_ = 	snop  }
0x7: {  	_ = 	snop  }
__scs_overlays_trampoline_lowered:
0x8: {  	[smem:$0x3FAC] =	sst s0  }
0x9: {  	[smem:$0x3FAD] =	sst s1  }
0xa: {  	[smem:$0x3FAE] =	sst s2  }
0xb: {  	[smem:$0x3FAF] =	sst s3  }
0xc: {  	[smem:$0x3FB0] =	sst s4  }
0xd: {  	[smem:$0x3FB1] =	sst s5  }
0xe: {  	[smem:$0x3FB2] =	sst s6  }
0xf: {  	[smem:$0x3FB3] =	sst s7  }
0x10: {  	[smem:$0x3FB4] =	sst s8  }
0x11: {  	[smem:$0x3FB5] =	sst s9;
	s0 =	simm.s32 @!p0 $0x0  }
0x12: {  	s1 =	sld [smem:$0x3F9B];
	s0 =	simm.s32 @p0 $0x1  }
0x13: {  	[smem:$0x3FB6] =	sst s0;
	s0 =	simm.s32 @!p1 $0x0  }
0x14: {  	s2 =	sld [smem:$0x3F9A];
	s0 =	simm.s32 @p1 $0x1  }
0x15: {  	[smem:$0x3FB7] =	sst s0;
	s0 =	simm.s32 @!p2 $0x0  }
0x16: {  	s3 =	sld [smem:$0x3FDB];
	s0 =	simm.s32 @p2 $0x1  }
0x17: {  	s4 =	simm.s32 $0x1BF5;
	[smem:$0x3FB9] =	sst s0  }
0x18: {  	s0 =	sld [smem:$0x3F9C];
	_ =	swait.ge [sflag:s4], $0x0  }
0x19: {  	s7 =	sld [smem:$0x3F9D]  }
0x1a: {  	s8 =	sadd.s32 $0xFFFFE003, lr  }
0x1b: {  	s9 =	sadd.s32 $0xFFFFFEF7, lr;
	s5 =	simm.s32 $0xFFFFFFFF;
	p2 =	slt.u32 s8, $0xFFFFF086  }
0x1c: {  	p1 =	slt.u32 s9, $0xF7A;
	s5 =	simm.s32 @!p2 $0x0  }
0x1d: {  	s5 =	simm.s32 @p1 $0x1;
	p0 =	seq.s32 s7, s2  }
0x1e: {  	s7 =	smul.u32 @!p0 $0xF7A, s2;
	p2 =	seq.s32 @!p0 s5, $0x0  }
0x1f: {  	s9 =	smul.u32 $0xF7A, s1;
	s8 =	simm.s32 @!p0 $0x1BF5;
	p2 =	por !p2, p0  }
0x20: {  	[sflag:s8] =	ssyncset.s32 @!p0 $0xFFFFF086;
	s6 =	sadd.s32 @!p0 s3, s7;
	s7 =	simm.s32 @!p0 $0x108  }
0x21: {  	s3 =	sadd.s32 s3, s9;
	s6 =	sadd.s32 @!p0 $0x88, s6;
	s7 =	simm.s32 @p2 $0x1082  }
0x22: {  	[simem:s7], [sflag:s8] =	dma.local @!p0 [hbm:s6], $0xF7A  }
0x23: {  	s9 =	sor.u32 $0xD0000000, s2;
	s6 =	simm.s32 $0x108;
	_ =	swait.ge @!p0 [sflag:s8], $0x0  }
0x24: {  	s3 =	sadd.s32 $0x88, s3;
	s6 =	simm.s32 @!p1 $0x1082;
	[sflag:s4] =	ssyncset.s32 $0xFFFFF086  }
0x25: {  	[simem:s6], [sflag:s4] =	dma.local [hbm:s3], $0xF7A  }
0x26: {  	[smem:$0x3F9D] =	sst s1;
	(tag) =	ssettag s2;
	_ =	strace s9  }
0x27: {  	s1 =	sld [smem:$0x3FAD]  }
0x28: {  	s2 =	sld [smem:$0x3FAE]  }
0x29: {  	s4 =	sld [smem:$0x3FB0]  }
0x2a: {  	p0 =	seq.s32 s5, $0x0;
	s5 =	sld [smem:$0x3FB1]  }
0x2b: {  	s6 =	sld [smem:$0x3FB2]  }
0x2c: {  	s7 =	sld [smem:$0x3FB3]  }
0x2d: {  	s3 =	simm.s32 $0x108;
	s8 =	sld [smem:$0x3FB4]  }
0x2e: {  	s3 =	simm.s32 @!p0 $0x1082;
	s9 =	sld [smem:$0x3FB5]  }
0x2f: {  	lr =	sadd.s32 s0, s3;
	s0 =	sld [smem:$0x3FAC]  }
0x30: {  	s3 =	sld [smem:$0x3FAF]  }
0x31: {  	[smem:$0x3FB8] =	sst s10  }
0x32: {  	s10 =	sld [smem:$0x3FB6];
	_ =	sdelay $0x3  }
0x33: {  	p0 =	seq.s32 s10, $0x1;
	s10 =	sld [smem:$0x3FB8];
	_ =	sdelay $0x3  }
0x34: {  	[smem:$0x3FB8] =	sst s10  }
0x35: {  	s10 =	sld [smem:$0x3FB7];
	_ =	sdelay $0x3  }
0x36: {  	p1 =	seq.s32 s10, $0x1;
	s10 =	sld [smem:$0x3FB8];
	_ =	sdelay $0x3  }
0x37: {  	[smem:$0x3FB8] =	sst s10  }
0x38: {  	s10 =	sld [smem:$0x3FB9]  }
0x39: {  	_ = 	snop;
	(pc) =	sbr.ind lr, $3  }
0x3a: {  	_ = 	snop  }
0x3b: {  	_ = 	snop  }
0x3c: {  	p2 =	seq.s32 s10, $0x1;
	s10 =	sld [smem:$0x3FB8]  }
0x3d: {  	_ =	shalt  }
0x3e: {  	_ =	shalt  }
0x3f: {  	_ =	shalt  }
0x40: {  	_ =	shalt  }
0x41: {  	_ =	shalt  }
0x42: {  	_ =	shalt  }
0x43: {  	_ =	shalt  }
0x44: {  	_ =	shalt  }
0x45: {  	_ =	shalt  }
0x46: {  	_ =	shalt  }
0x47: {  	_ =	shalt  }
0x48: {  	_ =	shalt  }
0x49: {  	_ =	shalt  }
0x4a: {  	_ =	shalt  }
0x4b: {  	_ =	shalt  }
0x4c: {  	_ =	shalt  }
0x4d: {  	_ =	shalt  }
0x4e: {  	_ =	shalt  }
0x4f: {  	_ =	shalt  }
0x50: {  	_ =	shalt  }
0x51: {  	_ =	shalt  }
0x52: {  	_ =	shalt  }
0x53: {  	_ =	shalt  }
0x54: {  	_ =	shalt  }
0x55: {  	_ =	shalt  }
0x56: {  	_ =	shalt  }
0x57: {  	_ =	shalt  }
0x58: {  	_ =	shalt  }
0x59: {  	_ =	shalt  }
0x5a: {  	_ =	shalt  }
0x5b: {  	_ =	shalt  }
0x5c: {  	_ =	shalt  }
0x5d: {  	_ =	shalt  }
0x5e: {  	_ =	shalt  }
0x5f: {  	_ =	shalt  }
0x60: {  	_ =	shalt  }
0x61: {  	_ =	shalt  }
0x62: {  	_ =	shalt  }
0x63: {  	_ =	shalt  }
0x64: {  	_ =	shalt  }
0x65: {  	_ =	shalt  }
0x66: {  	_ =	shalt  }
0x67: {  	_ =	shalt  }
0x68: {  	_ =	shalt  }
0x69: {  	_ =	shalt  }
0x6a: {  	_ =	shalt  }
0x6b: {  	_ =	shalt  }
0x6c: {  	_ =	shalt  }
0x6d: {  	_ =	shalt  }
0x6e: {  	_ =	shalt  }
0x6f: {  	_ =	shalt  }
0x70: {  	_ =	shalt  }
0x71: {  	_ =	shalt  }
0x72: {  	_ =	shalt  }
0x73: {  	_ =	shalt  }
0x74: {  	_ =	shalt  }
0x75: {  	_ =	shalt  }
0x76: {  	_ =	shalt  }
0x77: {  	_ =	shalt  }
0x78: {  	_ =	shalt  }
0x79: {  	_ =	shalt  }
0x7a: {  	_ =	shalt  }
0x7b: {  	_ =	shalt  }
0x7c: {  	_ =	shalt  }
0x7d: {  	_ =	shalt  }
0x7e: {  	_ =	shalt  }
0x7f: {  	_ =	shalt  }
0x80: {  	_ =	shalt  }
0x81: {  	_ =	shalt  }
0x82: {  	_ =	shalt  }
0x83: {  	_ =	shalt  }
0x84: {  	_ =	shalt  }
0x85: {  	_ =	shalt  }
0x86: {  	_ =	shalt  }
0x87: {  	_ =	shalt  }
.Lfunc_end0:
.L_simem_size_0:
called_computation_lowered:
.L_overlay_start_0:
0x88: {  	s2 =	sld [smem:$0x3FD9]  }
0x89: {  	s3 =	sld [smem:$0x3FFE];
	_ =	sdelay $0x1  }
0x8a: {  	s1 =	srdreg.scid  }
0x8b: {  	s0 =	sand.u32 $0x1, s1  }
0x8c: {  	s17 =	sshll.u32 s0, $0xA;
	s2 =	sadd.s32 s3, s2  }
0x8d: {  	s2 =	sadd.s32 s2, s17  }
0x8e: {  	[smem:$0x3FC4] =	sst s2  }
0x8f: {  	_ = 	snop  }
0x90: {  	s2 =	sld [smem:$0x3FD0];
	(tm) =	ssettm $0x1  }
0x91: {  	s18 =	sld [smem:$0x3FFB];
	_ =	sdelay $0x3  }
0x92: {  	_ =	strace s18  }
0x93: {  	s3 =	sld [smem:$0x3FFC];
	_ =	sdelay $0x3  }
0x94: {  	_ =	strace s3  }
0x95: {  	s3 =	sld [smem:$0x3FFD];
	_ =	sdelay $0x3  }
0x96: {  	_ =	strace s3  }
0x97: {  	_ =	strace $0x8FFFFFFF  }
0x98: {  	s19 =	sld [smem:$0x3FDB];
	_ =	sdelay $0x1  }
0x99: {  	s4 =	simm.s32 $_scs_section_size  }
0x9a: {  	s5 =	simm.s32 $_size__tile_overlayer_lowered;
	s6 =	simm.s32 $_tile_overlayer_lowered  }
0x9b: {  	s22 =	simm.s32 $0x1BFF;
	s21 =	sshll.u32 s6, $0x1;
	s3 =	sadd.s32 s4, s19  }
0x9c: {  	s7 =	simm.s32 $0x0;
	s20 =	sshll.u32 s5, $0x1;
	s5 =	sadd.s32 s21, s3  }
0x9d: {  	[timem:s7], [sflag:s22] =	dma.local [hbm:s5], s20  }
0x9e: {  	_ =	swait.ge [sflag:s22], s20  }
0x9f: {  	s4 =	ssub.s32 $0x0, s20;
	[sflag:s22] =	ssyncset.done $0x0  }
0xa0: {  	[sflag:s22] =	ssyncadd.s32 s4;
	_ =	sdelay $0x1  }
0xa1: {  	s23 =	simm.s32 $0x1B8B  }
0xa2: {  	_ =	swait.ge [sflag:s23], $0x1  }
0xa3: {  	[sflag:s23] =	ssyncset.done $0x0  }
0xa4: {  	s25 =	simm.s32 $0x1B8E;
	s24 =	sld [smem:$0x3FFE];
	[sflag:s23] =	ssyncadd.s32 $0xFFFFFFFF  }
0xa5: {  	s26 =	simm.s32 $execute0_lowered;
	[smem:$0x3FD2] =	sst s25  }
0xa6: {  	s5 =	sshll.u32 s26, $0x1;
	_ =	strace $0x80000046;
	[dreg:$0x1] =	wrdreg $0xFFFFFFFF  }
0xa7: {  	s28 =	simm.s32 $_size_execute0_lowered;
	s3 =	sadd.s32 s3, s5;
	[dreg:$0x0] =	wrdreg $0x0  }
0xa8: {  	s5 =	sshll.u32 s28, $0x1;
	[dreg:$0x2] =	wrdreg s3  }
0xa9: {  	[dreg:$0x3] =	wrdreg s5  }
0xaa: {  	[dreg:$0x4] =	wrdreg $0xC0  }
0xab: {  	_ =	task [dreg:s7], $0x5FFFF  }
0xac: {  	[dreg:$0x1] =	wrdreg $0xFFFFFFFF  }
0xad: {  	[dreg:$0x0] =	wrdreg $0x60  }
0xae: {  	[dreg:$0x2] =	wrdreg s24  }
0xaf: {  	[dreg:$0x3] =	wrdreg s2  }
0xb0: {  	[dreg:$0x4] =	wrdreg $0x9  }
0xb1: {  	_ =	task.clear_ibuf [dreg:s7], $0x5FFFF;
	_ =	strace $0x90000046  }
0xb2: {  	s29 =	simm.s32 $0x9;
	_ =	strace $0x80000048  }
0xb3: {  	_ =	swait.ge [sflag:s29], $0x1  }
0xb4: {  	[sflag:s29] =	ssyncadd.s32 $0xFFFFFFFF  }
0xb5: {  	_ =	strace $0x90000048  }
0xb6: {  	_ =	sfence  }
0xb7: {  	s30 =	sld [smem:$0x0];
	_ =	sdelay $0x2  }
0xb8: {  	s31 =	sshll.u32 s1, $0xD;
	s1 =	sshrl.u32 s1, $0x2  }
0xb9: {  	s3 =	sand.u32 $0x4000, s31;
	s1 =	sadd.s32 s1, s30  }
0xba: {  	s0 =	sor.u32 s3, s0;
	s1 =	sshll.u32 s1, $0x11  }
0xbb: {  	s0 =	sor.u32 s1, s0  }
0xbc: {  	s0 =	sadd.s32 $0x8F2B, s0  }
0xbd: {  	[sflag:s0] =	ssyncadd.remote.s32 $0x1  }
0xbe: {  	_ =	sfence.sel $0xFFFF  }
0xbf: {  	[dreg:$0x0] =	wrdreg $0xFFFFFFFF;
	(pc) =	sbr.abs _section_cstart, $3  }
0xc0: {  	[dreg:$0x1] =	wrdreg $0xFFFFFFFF  }
0xc1: {  	_ =	task.clear_ibuf [dreg:s7], $0x2FFFF;
	_ =	strace $0x9FFFFFFF  }
0xc2: {  	(tm) =	ssettm $0x7FFFFFFF  }
0xc3: {  	_ =	shalt  }
tec
execute0_lowered:
.L_overlay_start_1:
0x0: {  	(tag) =	ssettag $0x1  }
0x1: {  	s1 =	srdreg.scid;
	s0 =	stileid.u32  }
0x2: {  	s8 =	sand.u32 $0x1, s1;
	s29 =	sshll.u32 s0, $0x1  }
0x3: {  	s5 =	rddreg [dreg:$0x0];
	s10 =	sor.u32 s8, s29  }
0x4: {  	s9 =	rddreg [dreg:$0x1];
	s2 =	simm.s32 $0x0;
	s3 =	sshll.u32 s10, $0x4  }
0x5: {  	s4 =	simm.s32 $0x2;
	[smem:$0x7FF] =	sst s2;
	s3 =	sadd.s32 s3, s5  }
0x6: {  	s1 =	rddreg [dreg:$0x2];
	_ =	strace $0x80000047;
	s3 =	sadd.s32 $0x600, s3  }
0x7: {  	[tilespmem:s2], [sflag:$0x2] =	stream.linear.gather [hbm4b:s3+s2], $0x80, $0x38;
	[tilespmem:$0x880] =	vst v63  }
0x8: {  	s6 =	simm.s32 $0x80;
	_ =	swait.ge [sflag:s4], $0x80  }
0x9: {  	s7 =	simm.s32 $0x1;
	s11 =	ssub.s32 $0x2, s8;
	[sflag:s4] =	ssyncset.done $0x0  }
0xa: {  	s31 =	sshrl.u32 s11, $0x1;
	s5 =	sadd.s32 $0x800, s5;
	[sflag:s4] =	ssyncadd.s32 $0xFFFFFF80  }
0xb: {  	[tilespmem:s6], [sflag:$0x1] =	stream.indirect.gather [hbm4b:s5+s6], $0x10, s2, s6, $0xb8;
	[tilespmem:$0x880] =	vst v63  }
0xc: {  	s30 =	sshll.u32 s10, $0x8;
	s10 =	ssub.s32 s11, s31;
	_ =	swait.ge [sflag:s7], $0x800  }
0xd: {  	p0 =	sgt.u32 s0, $0x3;
	s10 =	smax.u32 s10, $0x1;
	[sflag:s7] =	ssyncset.done $0x0  }
0xe: {  	s8 =	sadd.s32 s9, s30;
	s11 =	sadd.s32 $0xFFFFFFFF, s10;
	[sflag:s7] =	ssyncadd.s32 $0xFFFFF800  }
0xf: {  	[hbm4b:s8+s2] =	stream.linear.scatter [tilespmem:s6], [sflag:$0x2], $0x800, $0x38;
	[tilespmem:$0x880] =	vst v63  }
0x10: {  	s12 =	simm.s32 @!p0 $0x0;
	p1 =	sne.s32 s11, $0x0;
	_ =	swait.ge [sflag:s4], $0x800  }
.Ltmp0:
0x11: {  	s13 =	simm.s32 @!p0 $0x80;
	[sflag:s4] =	ssyncset.done $0x0;
	(pc) =	sbr.rel @!p1 .LBB2_2-.Ltmp0, $4  }
0x12: {  	s9 =	sadd.s32 $0x2000, s8;
	s10 =	simm.s32 @!p0 $0x2;
	[sflag:s4] =	ssyncadd.s32 $0xFFFFF800  }
0x13: {  	[hbm4b:s9+s12] =	stream.linear.scatter @!p0 [tilespmem:s13], [sflag:$0x2], $0x800, $0x38;
	[tilespmem:$0x880] =	vst v63  }
0x14: {  	_ =	swait.ge @!p0 [sflag:s10], $0x800  }
0x15: {  	[sflag:s10] =	ssyncset.done @!p0 $0x0  }
.LBB2_1:
0x16: {  	s11 =	sadd.s32 $0xFFFFFFFF, s11;
	[sflag:s10] =	ssyncadd.s32 @!p0 $0xFFFFF800  }
0x17: {  	[tilespmem:s2], [sflag:$0x2] =	stream.linear.gather [hbm4b:s3+s2], $0x80, $0x38;
	[tilespmem:$0x880] =	vst v63  }
0x18: {  	p1 =	sne.s32 s11, $0x0;
	_ =	swait.ge [sflag:s4], $0x80  }
0x19: {  	[sflag:s4] =	ssyncset.done $0x0  }
0x1a: {  	[sflag:s4] =	ssyncadd.s32 $0xFFFFFF80  }
0x1b: {  	[tilespmem:s6], [sflag:$0x1] =	stream.indirect.gather [hbm4b:s5+s6], $0x10, s2, s6, $0xb8;
	[tilespmem:$0x880] =	vst v63  }
0x1c: {  	_ =	swait.ge [sflag:s7], $0x800  }
0x1d: {  	[sflag:s7] =	ssyncset.done $0x0  }
0x1e: {  	[sflag:s7] =	ssyncadd.s32 $0xFFFFF800  }
0x1f: {  	[hbm4b:s8+s2] =	stream.linear.scatter [tilespmem:s6], [sflag:$0x2], $0x800, $0x38;
	[tilespmem:$0x880] =	vst v63  }
0x20: {  	_ =	swait.ge [sflag:s4], $0x800  }
.Ltmp1:
0x21: {  	[sflag:s4] =	ssyncset.done $0x0;
	(pc) =	sbr.rel @p1 .LBB2_1-.Ltmp1, $4  }
0x22: {  	[sflag:s4] =	ssyncadd.s32 $0xFFFFF800  }
0x23: {  	[hbm4b:s9+s12] =	stream.linear.scatter @!p0 [tilespmem:s13], [sflag:$0x2], $0x800, $0x38;
	[tilespmem:$0x880] =	vst v63  }
0x24: {  	_ =	swait.ge @!p0 [sflag:s10], $0x800  }
0x25: {  	[sflag:s10] =	ssyncset.done @!p0 $0x0  }
.LBB2_2:
0x26: {  	[sflag:s10] =	ssyncadd.s32 @!p0 $0xFFFFF800  }
0x27: {  	_ =	sfence.sel $0x180000  }
0x28: {  	[bflag:$0x0] =	sbarrier.arrive $0xFFFF  }
0x29: {  	p0 =	sne.s32 s0, $0x0;
	_ =	strace $0x90000047  }
0x2a: {  	s0 =	sadd.s32 @!p0 $0x100000, s1;
	[bflag:$0x2] =	sbarrier.arrive $0xFFFF  }
0x2b: {  	[sflag:s0] =	ssyncadd.tile.s32 @!p0 $0x1;
	_ =	shalt  }
.Lfunc_end2:
_tile_overlayer_lowered:
.L_overlay_start_2:
0x2c: {  	(tag) =	ssettag $0x2  }
0x2d: {  	s0 =	rddreg [dreg:$0x0];
	s2 =	stileid.u32  }
0x2e: {  	s1 =	rddreg [dreg:$0x1];
	p0 =	sne.s32 s2, $0x0  }
0x2f: {  	s3 =	rddreg [dreg:$0x2];
	[bflag:$0x3] =	sbarrier.arrive $0xFFFF;
	s2 =	simm.s32 @!p0 $0x1C02  }
0x30: {  	[timem:s3], [sflag:s2] =	dma.local @!p0 [hbm:s0], s1  }
0x31: {  	s0 =	simm.s32 @!p0 $0x2  }
0x32: {  	_ =	swait.ge @!p0 [sflag:s0], s1  }
0x33: {  	s1 =	ssub.s32 @!p0 $0x0, s1;
	[sflag:s0] =	ssyncset.done @!p0 $0x0  }
0x34: {  	[sflag:s0] =	ssyncadd.s32 @!p0 s1  }
0x35: {  	[bflag:$0x3] =	sbarrier.arrive $0xFFFF  }
0x36: {  	_ =	shalt  }

</sc_bundles>
